<compile_context>
chip_gen: v7x
topology: tpu7x:2x2x1
jax: 0.10.2.dev20260603
libtpu: 0.0.44.dev20260713+nightly
codegen_flags: <defaults>
</compile_context>

<pallas_src>
import functools

import jax
import jax.numpy as jnp
from jax import lax
from jax.experimental import pallas as pl
from jax.experimental.pallas import tpu as pltpu
from jax.experimental.pallas import tpu_sc as plsc

N = 10000
D = 128
NC = 2
NS = 16
NW = NC * NS
K = 160

NP = 10240
ROWS_PER_TILE = NP // NS


def _edge_pass_body(nl, h_hbm, src_hbm, dst_hbm, w_hbm, out_hbm,
                    acc, rowsA, rowsB, sidxA, sidxB, didxA, didxB,
                    wA, wB, gsemA, gsemB, isemA, isemB):
    c = lax.axis_index("c")
    s = lax.axis_index("s")
    tb = (c * NS + s) * (nl * K)

    zv = jnp.zeros((16,), jnp.float32)

    def zfill(j, _):
        for g in range(8):
            rowsA[j, pl.ds(g * 16, 16)] = zv
        return 0
    lax.fori_loop(0, K, zfill, 0)

    r0 = s * ROWS_PER_TILE

    def zcopy(i, _):
        pltpu.sync_copy(rowsA, acc.at[pl.ds(r0 + i * K, K)])
        return 0
    lax.fori_loop(0, ROWS_PER_TILE // K, zcopy, 0)

    plsc.subcore_barrier()

    def scale_scatter(rows, wbuf, didx):
        def scale(jb, _):
            wv = wbuf[pl.ds(jb * 16, 16)]
            for l in range(16):
                wj = wv[l]
                j = jb * 16 + l
                for g in range(8):
                    rows[j, pl.ds(g * 16, 16)] = rows[j, pl.ds(g * 16, 16)] * wj
            return 0
        lax.fori_loop(0, K // 16, scale, 0)
        pltpu.sync_copy(rows, acc.at[didx], add=True)

    def issue_idx(ci, sidx, didx, wbuf, isem):
        b = tb + ci * K
        pltpu.async_copy(src_hbm.at[pl.ds(b, K)], sidx, isem)
        pltpu.async_copy(dst_hbm.at[pl.ds(b, K)], didx, isem)
        pltpu.async_copy(w_hbm.at[pl.ds(b, K)], wbuf, isem)

    def wait_idx(ci, sidx, didx, wbuf, isem):
        b = tb + ci * K
        pltpu.make_async_copy(src_hbm.at[pl.ds(b, K)], sidx, isem).wait()
        pltpu.make_async_copy(dst_hbm.at[pl.ds(b, K)], didx, isem).wait()
        pltpu.make_async_copy(w_hbm.at[pl.ds(b, K)], wbuf, isem).wait()

    issue_idx(0, sidxA, didxA, wA, isemA)
    wait_idx(0, sidxA, didxA, wA, isemA)
    pltpu.async_copy(h_hbm.at[sidxA], rowsA, gsemA)
    issue_idx(1, sidxB, didxB, wB, isemB)

    def piped(i, _):
        ca = 2 * i
        pltpu.make_async_copy(h_hbm.at[sidxA], rowsA, gsemA).wait()
        wait_idx(ca + 1, sidxB, didxB, wB, isemB)
        pltpu.async_copy(h_hbm.at[sidxB], rowsB, gsemB)
        scale_scatter(rowsA, wA, didxA)

        @pl.when(ca + 2 < nl)
        def _():
            issue_idx(ca + 2, sidxA, didxA, wA, isemA)
        pltpu.make_async_copy(h_hbm.at[sidxB], rowsB, gsemB).wait()

        @pl.when(ca + 2 < nl)
        def _():
            wait_idx(ca + 2, sidxA, didxA, wA, isemA)
            pltpu.async_copy(h_hbm.at[sidxA], rowsA, gsemA)
        scale_scatter(rowsB, wB, didxB)

        @pl.when(ca + 3 < nl)
        def _():
            issue_idx(ca + 3, sidxB, didxB, wB, isemB)
        return 0
    lax.fori_loop(0, nl // 2, piped, 0)

    plsc.subcore_barrier()

    def wrow(i, _):
        sl = pl.ds(r0 + i * K, K)
        pltpu.sync_copy(acc.at[sl], out_hbm.at[c].at[sl])
        return 0
    lax.fori_loop(0, ROWS_PER_TILE // K, wrow, 0)


@functools.partial(jax.jit, static_argnames=("nl",))
def _edge_pass(h, src, dst, w, nl):
    mesh = plsc.VectorSubcoreMesh(core_axis_name="c", subcore_axis_name="s")
    body = functools.partial(_edge_pass_body, nl)
    return pl.kernel(
        body,
        out_type=jax.ShapeDtypeStruct((NC, NP, D), jnp.float32),
        mesh=mesh,
        scratch_types=[
            pltpu.VMEM_SHARED((NP, D), jnp.float32),
            pltpu.VMEM((K, D), jnp.float32),
            pltpu.VMEM((K, D), jnp.float32),
            pltpu.VMEM((K,), jnp.int32),
            pltpu.VMEM((K,), jnp.int32),
            pltpu.VMEM((K,), jnp.int32),
            pltpu.VMEM((K,), jnp.int32),
            pltpu.VMEM((K,), jnp.float32),
            pltpu.VMEM((K,), jnp.float32),
            pltpu.SemaphoreType.DMA,
            pltpu.SemaphoreType.DMA,
            pltpu.SemaphoreType.DMA,
            pltpu.SemaphoreType.DMA,
        ],
    )(h, src, dst, w)


KD = 1280
KP = 640
ALN3 = NS * 2 * KD
DSTK = 3 * NP
DSL = DSTK // NS


def _rsqrt16(x):
    y = 0.5 * (x + 1.0)
    for _ in range(13):
        y = 0.5 * (y + x / y)
    return 1.0 / y


def _norm_pass_body(nchunks, rid_hbm, cid_hbm, ew_hbm, norm_hbm, dinv_hbm,
                    deg, dsl, cdA, cdB, wdA, wdB, rA, rB, cA, cB,
                    w3A, w3B, aA, aB, bA, bB, oA, oB,
                    dsemA, dsemB, isemA, isemB, gsemA, gsemB):
    c = lax.axis_index("c")
    s = lax.axis_index("s")

    zv = jnp.zeros((16,), jnp.float32)

    def zfill(j, _):
        dsl[pl.ds(j * 16, 16)] = zv
        return 0
    lax.fori_loop(0, DSL // 16, zfill, 0)
    pltpu.sync_copy(dsl, deg.at[pl.ds(s * DSL, DSL)])
    plsc.subcore_barrier()

    nd = nchunks * 2
    tb1 = s * (nd * KD)

    def d_issue(ci, cb, wb, sem):
        b = tb1 + ci * KD
        pltpu.async_copy(cid_hbm.at[pl.ds(b, KD)], cb, sem)
        pltpu.async_copy(ew_hbm.at[pl.ds(b, KD)], wb, sem)

    def d_wait(ci, cb, wb, sem):
        b = tb1 + ci * KD
        pltpu.make_async_copy(cid_hbm.at[pl.ds(b, KD)], cb, sem).wait()
        pltpu.make_async_copy(ew_hbm.at[pl.ds(b, KD)], wb, sem).wait()

    d_issue(0, cdA, wdA, dsemA)
    d_issue(1, cdB, wdB, dsemB)

    def dloop(i, _):
        ca = 2 * i
        d_wait(ca, cdA, wdA, dsemA)
        pltpu.sync_copy(wdA, deg.at[cdA], add=True)

        @pl.when(ca + 2 < nd)
        def _():
            d_issue(ca + 2, cdA, wdA, dsemA)
        d_wait(ca + 1, cdB, wdB, dsemB)
        pltpu.sync_copy(wdB, deg.at[cdB], add=True)

        @pl.when(ca + 3 < nd)
        def _():
            d_issue(ca + 3, cdB, wdB, dsemB)
        return 0
    lax.fori_loop(0, nd // 2, dloop, 0)
    plsc.subcore_barrier()

    pltpu.sync_copy(deg.at[pl.ds(s * DSL, DSL)], dsl)

    def dinvloop(j, _):
        dv = dsl[pl.ds(j * 16, 16)]
        dsl[pl.ds(j * 16, 16)] = _rsqrt16(dv + 1.0)
        return 0
    lax.fori_loop(0, DSL // 16, dinvloop, 0)
    pltpu.sync_copy(dsl, dinv_hbm.at[pl.ds(s * DSL, DSL)])
    plsc.subcore_barrier()

    n3 = nchunks * 2
    tb3 = (c * NS + s) * (n3 * KP)

    def p_issue_idx(ci, rb, cb, wb, sem):
        b = tb3 + ci * KP
        pltpu.async_copy(rid_hbm.at[pl.ds(b, KP)], rb, sem)
        pltpu.async_copy(cid_hbm.at[pl.ds(b, KP)], cb, sem)
        pltpu.async_copy(ew_hbm.at[pl.ds(b, KP)], wb, sem)

    def p_wait_idx(ci, rb, cb, wb, sem):
        b = tb3 + ci * KP
        pltpu.make_async_copy(rid_hbm.at[pl.ds(b, KP)], rb, sem).wait()
        pltpu.make_async_copy(cid_hbm.at[pl.ds(b, KP)], cb, sem).wait()
        pltpu.make_async_copy(ew_hbm.at[pl.ds(b, KP)], wb, sem).wait()

    def p_issue_g(rb, cb, ab, bb, sem):
        pltpu.async_copy(dinv_hbm.at[rb], ab, sem)
        pltpu.async_copy(dinv_hbm.at[cb], bb, sem)

    def p_wait_g(rb, cb, ab, bb, sem):
        pltpu.make_async_copy(dinv_hbm.at[rb], ab, sem).wait()
        pltpu.make_async_copy(dinv_hbm.at[cb], bb, sem).wait()

    def p_vec(ci, wb, ab, bb, ob):
        def nvec(j, _):
            sl = pl.ds(j * 16, 16)
            ob[sl] = ab[sl] * wb[sl] * bb[sl]
            return 0
        lax.fori_loop(0, KP // 16, nvec, 0)
        pltpu.sync_copy(ob, norm_hbm.at[pl.ds(tb3 + ci * KP, KP)])

    p_issue_idx(0, rA, cA, w3A, isemA)
    p_wait_idx(0, rA, cA, w3A, isemA)
    p_issue_g(rA, cA, aA, bA, gsemA)
    p_issue_idx(1, rB, cB, w3B, isemB)

    def nloop(i, _):
        ca = 2 * i
        p_wait_g(rA, cA, aA, bA, gsemA)
        p_wait_idx(ca + 1, rB, cB, w3B, isemB)
        p_issue_g(rB, cB, aB, bB, gsemB)
        p_vec(ca, w3A, aA, bA, oA)

        @pl.when(ca + 2 < n3)
        def _():
            p_issue_idx(ca + 2, rA, cA, w3A, isemA)
        p_wait_g(rB, cB, aB, bB, gsemB)

        @pl.when(ca + 2 < n3)
        def _():
            p_wait_idx(ca + 2, rA, cA, w3A, isemA)
            p_issue_g(rA, cA, aA, bA, gsemA)
        p_vec(ca + 1, w3B, aB, bB, oB)

        @pl.when(ca + 3 < n3)
        def _():
            p_issue_idx(ca + 3, rB, cB, w3B, isemB)
        return 0
    lax.fori_loop(0, n3 // 2, nloop, 0)


@functools.partial(jax.jit, static_argnames=("nchunks",))
def _norm_pass(rid, cid, ew, nchunks):
    mesh = plsc.VectorSubcoreMesh(core_axis_name="c", subcore_axis_name="s")
    body = functools.partial(_norm_pass_body, nchunks)
    return pl.kernel(
        body,
        out_type=[jax.ShapeDtypeStruct(rid.shape, jnp.float32),
                  jax.ShapeDtypeStruct((DSTK,), jnp.float32)],
        mesh=mesh,
        scratch_types=[
            pltpu.VMEM_SHARED((DSTK,), jnp.float32),
            pltpu.VMEM((DSL,), jnp.float32),
            pltpu.VMEM((KD,), jnp.int32),
            pltpu.VMEM((KD,), jnp.int32),
            pltpu.VMEM((KD,), jnp.float32),
            pltpu.VMEM((KD,), jnp.float32),
            pltpu.VMEM((KP,), jnp.int32),
            pltpu.VMEM((KP,), jnp.int32),
            pltpu.VMEM((KP,), jnp.int32),
            pltpu.VMEM((KP,), jnp.int32),
            pltpu.VMEM((KP,), jnp.float32),
            pltpu.VMEM((KP,), jnp.float32),
            pltpu.VMEM((KP,), jnp.float32),
            pltpu.VMEM((KP,), jnp.float32),
            pltpu.VMEM((KP,), jnp.float32),
            pltpu.VMEM((KP,), jnp.float32),
            pltpu.VMEM((KP,), jnp.float32),
            pltpu.VMEM((KP,), jnp.float32),
            pltpu.SemaphoreType.DMA,
            pltpu.SemaphoreType.DMA,
            pltpu.SemaphoreType.DMA,
            pltpu.SemaphoreType.DMA,
            pltpu.SemaphoreType.DMA,
            pltpu.SemaphoreType.DMA,
        ],
    )(rid, cid, ew)


def _seg(h, src, dst, w):
    et = src.shape[0]
    align = 2 * NW * K
    etp = -(-et // align) * align
    pad = etp - et
    if pad:
        sp = (jnp.arange(pad, dtype=src.dtype) % N)
        src = jnp.concatenate([src, sp])
        dst = jnp.concatenate([dst, sp])
        w = jnp.concatenate([w, jnp.zeros((pad,), w.dtype)])
    p = _edge_pass(h, src, dst, w, etp // (NW * K))
    return p[0, :N] + p[1, :N]


def kernel(x, edge_index, edge_in, in_w, edge_out, out_w, edge_index2,
           edge_weight, edge_weight2, lin1_w, lin2_w, ib1_ln_w, ib1_ln_b,
           ib1_c1_w, ib1_c1_b, ib1_c2_w, ib1_c2_b, ib2_ln_w, ib2_ln_b,
           ib2_c1_w, ib2_c1_b, ib2_c2_w, ib2_c2_b, conv1_w, conv1_b):
    r1, c1 = edge_index[0], edge_index[1]
    r2, c2 = edge_in[0], edge_in[1]
    r3, c3 = edge_out[0], edge_out[1]
    e3 = 3 * r1.shape[0]
    nchunks = -(-e3 // ALN3)
    pad3 = nchunks * ALN3 - e3
    zi = jnp.arange(pad3, dtype=r1.dtype) % N
    zf = jnp.zeros((pad3,), jnp.float32)
    ones = jnp.ones(r1.shape, jnp.float32)
    rid = jnp.concatenate([r1, r2 + NP, r3 + 2 * NP, zi])
    cid = jnp.concatenate([c1, c2 + NP, c3 + 2 * NP, zi])
    ew_all = jnp.concatenate([ones, in_w, out_w, zf])
    norm_all, dinv_s = _norm_pass(rid, cid, ew_all, nchunks)
    d1 = dinv_s[:N]
    d2 = dinv_s[NP:NP + N]
    d3 = dinv_s[2 * NP:2 * NP + N]
    dsum = (d1 * d1 + d2 * d2 + d3 * d3)[:, None]
    rows_all = jnp.concatenate([r1, r2, r3, zi])
    cols_all = jnp.concatenate([c1, c2, c3, zi])

    src, dst = edge_index[0], edge_index[1]
    src2, dst2 = edge_index2[0], edge_index2[1]
    src12 = jnp.concatenate([src, src2 + N])
    dst12 = jnp.concatenate([dst, dst2])
    w12 = jnp.concatenate([edge_weight, edge_weight2])

    symx = x @ lin1_w
    symx = _seg(symx, rows_all, cols_all, norm_all) + dsum * symx
    x0 = x @ ib1_ln_w + ib1_ln_b
    x12 = _seg(jnp.concatenate([x @ ib1_c1_w, x @ ib1_c2_w]), src12, dst12, w12)
    x12 = x12 + ib1_c1_b + ib1_c2_b
    h = jnp.concatenate([x0 + x12, symx], axis=-1)
    h = jax.nn.relu(h @ conv1_w.T + conv1_b)
    x0 = h @ ib2_ln_w + ib2_ln_b
    x12 = _seg(jnp.concatenate([h @ ib2_c1_w, h @ ib2_c2_w]), src12, dst12, w12)
    h = jax.nn.relu(x0 + x12 + ib2_c1_b + ib2_c2_b)
    symx = h @ lin2_w
    return _seg(symx, rows_all, cols_all, norm_all) + dsum * symx

# --- scband reference (transcript-rebuilt; emitter-appended) ---
"""Pipeline reference for scband-di-gcn-ib-3-mix-bn-sym-cat-46746424050305 (READ-ONLY COPY).

The authoritative reference and input builder live on the scoring server;
editing this copy changes nothing except your own understanding.
"""

import jax, jax.numpy as jnp
import numpy as np

N = 10000
E = 320000
D_IN = 128
NHID = 128
D_OUT = 128

def gcn_norm(edge_index, edge_weight, num_nodes):
    row, col = edge_index[0], edge_index[1]
    if edge_weight is None:
        edge_weight = jnp.ones((row.shape[0],), dtype=jnp.float32)
    loop = jnp.arange(num_nodes, dtype=row.dtype)
    row = jnp.concatenate([row, loop])
    col = jnp.concatenate([col, loop])
    ew = jnp.concatenate([edge_weight, jnp.ones((num_nodes,), dtype=jnp.float32)])
    deg = jax.ops.segment_sum(ew, col, num_segments=num_nodes)
    dinv = jnp.where(deg > 0, deg ** -0.5, 0.0)
    norm = dinv[row] * ew * dinv[col]
    return row, col, norm

def dgcn_conv(x, edge_index, edge_weight=None):
    row, col, norm = gcn_norm(edge_index, edge_weight, x.shape[0])
    return jax.ops.segment_sum(norm[:, None] * x[row], col, num_segments=x.shape[0])

def digcn_conv(x, edge_index, edge_weight, W, b):
    h = x @ W
    src, dst = edge_index[0], edge_index[1]
    out = jax.ops.segment_sum(edge_weight[:, None] * h[src], dst, num_segments=x.shape[0])
    return out + b

def setup_inputs(seed: int = 0):
    key = jax.random.key(seed)
    ks = jax.random.split(key, 24)
    inp = {}
    inp["x"] = jax.random.normal(ks[0], (N, D_IN), dtype=jnp.float32)
    inp["edge_index"] = jax.random.randint(ks[1], (2, E), 0, N)
    inp["edge_in"] = jax.random.randint(ks[2], (2, E), 0, N)
    inp["in_w"] = jax.random.uniform(ks[3], (E,), dtype=jnp.float32)
    inp["edge_out"] = jax.random.randint(ks[4], (2, E), 0, N)
    inp["out_w"] = jax.random.uniform(ks[5], (E,), dtype=jnp.float32)
    inp["edge_index2"] = jax.random.randint(ks[6], (2, E), 0, N)
    inp["edge_weight"] = jax.random.uniform(ks[7], (E,), dtype=jnp.float32)
    inp["edge_weight2"] = jax.random.uniform(ks[8], (E,), dtype=jnp.float32)
    s1 = 1.0 / np.sqrt(D_IN); s2 = 1.0 / np.sqrt(NHID)
    inp["lin1_w"] = jax.random.uniform(ks[9], (D_IN, NHID), jnp.float32, -s1, s1)
    inp["lin2_w"] = jax.random.uniform(ks[10], (NHID, D_OUT), jnp.float32, -s2, s2)
    inp["ib1_ln_w"] = jax.random.uniform(ks[11], (D_IN, NHID), jnp.float32, -s1, s1)
    inp["ib1_ln_b"] = jnp.zeros((NHID,), jnp.float32)
    inp["ib1_c1_w"] = jax.random.uniform(ks[12], (D_IN, NHID), jnp.float32, -s1, s1)
    inp["ib1_c1_b"] = jnp.zeros((NHID,), jnp.float32)
    inp["ib1_c2_w"] = jax.random.uniform(ks[13], (D_IN, NHID), jnp.float32, -s1, s1)
    inp["ib1_c2_b"] = jnp.zeros((NHID,), jnp.float32)
    inp["ib2_ln_w"] = jax.random.uniform(ks[14], (NHID, NHID), jnp.float32, -s2, s2)
    inp["ib2_ln_b"] = jnp.zeros((NHID,), jnp.float32)
    inp["ib2_c1_w"] = jax.random.uniform(ks[15], (NHID, NHID), jnp.float32, -s2, s2)
    inp["ib2_c1_b"] = jnp.zeros((NHID,), jnp.float32)
    inp["ib2_c2_w"] = jax.random.uniform(ks[16], (NHID, NHID), jnp.float32, -s2, s2)
    inp["ib2_c2_b"] = jnp.zeros((NHID,), jnp.float32)
    sc = 1.0 / np.sqrt(2 * NHID)
    inp["conv1_w"] = jax.random.uniform(ks[17], (NHID, 2 * NHID), jnp.float32, -sc, sc)
    inp["conv1_b"] = jnp.zeros((NHID,), jnp.float32)
    return inp

def reference(x, edge_index, edge_in, in_w, edge_out, out_w, edge_index2, edge_weight, edge_weight2, lin1_w, lin2_w, ib1_ln_w, ib1_ln_b, ib1_c1_w, ib1_c1_b, ib1_c2_w, ib1_c2_b, ib2_ln_w, ib2_ln_b, ib2_c1_w, ib2_c1_b, ib2_c2_w, ib2_c2_b, conv1_w, conv1_b):
    # first layer: cat(Sym, DiGib)
    symx = x @ lin1_w
    symx = dgcn_conv(symx, edge_index) + dgcn_conv(symx, edge_in, in_w) + dgcn_conv(symx, edge_out, out_w)
    x0 = x @ ib1_ln_w + ib1_ln_b
    x1 = digcn_conv(x, edge_index, edge_weight, ib1_c1_w, ib1_c1_b)
    x2 = digcn_conv(x, edge_index2, edge_weight2, ib1_c2_w, ib1_c2_b)
    h = x0 + x1 + x2
    h = jnp.concatenate([h, symx], axis=-1)
    # Conv1d(2*nhid -> nhid, kernel_size=1) == pointwise linear
    h = h @ conv1_w.T + conv1_b
    h = jax.nn.relu(h)
    # dropout: eval mode, identity
    x0 = h @ ib2_ln_w + ib2_ln_b
    x1 = digcn_conv(h, edge_index, edge_weight, ib2_c1_w, ib2_c1_b)
    x2 = digcn_conv(h, edge_index2, edge_weight2, ib2_c2_w, ib2_c2_b)
    h = jax.nn.relu(x0 + x1 + x2)
    symx = h @ lin2_w
    out = dgcn_conv(symx, edge_index) + dgcn_conv(symx, edge_in, in_w) + dgcn_conv(symx, edge_out, out_w)
    return out

if __name__ == "__main__":
    import jax
    _d = setup_inputs()
    print(jax.jit(kernel)(*tuple(_d.values())))

</pallas_src>

<mosaic_0001>
#map = affine_map<(d0, d1) -> (0)>
module attributes {stable_mosaic.version = 14 : i64} {
  func.func @_norm_pass_body(%arg0: i32, %arg1: i32, %arg2: memref<983040xi32, #tpu.memory_space<hbm>>, %arg3: memref<983040xi32, #tpu.memory_space<hbm>>, %arg4: memref<983040xf32, #tpu.memory_space<hbm>>, %arg5: memref<983040xf32, #tpu.memory_space<hbm>>, %arg6: memref<30720xf32, #tpu.memory_space<hbm>>, %arg7: memref<30720xf32, #tpu.memory_space<vmem_shared>>, %arg8: memref<1920xf32, #tpu.memory_space<vmem>>, %arg9: memref<1280xi32, #tpu.memory_space<vmem>>, %arg10: memref<1280xi32, #tpu.memory_space<vmem>>, %arg11: memref<1280xf32, #tpu.memory_space<vmem>>, %arg12: memref<1280xf32, #tpu.memory_space<vmem>>, %arg13: memref<640xi32, #tpu.memory_space<vmem>>, %arg14: memref<640xi32, #tpu.memory_space<vmem>>, %arg15: memref<640xi32, #tpu.memory_space<vmem>>, %arg16: memref<640xi32, #tpu.memory_space<vmem>>, %arg17: memref<640xf32, #tpu.memory_space<vmem>>, %arg18: memref<640xf32, #tpu.memory_space<vmem>>, %arg19: memref<640xf32, #tpu.memory_space<vmem>>, %arg20: memref<640xf32, #tpu.memory_space<vmem>>, %arg21: memref<640xf32, #tpu.memory_space<vmem>>, %arg22: memref<640xf32, #tpu.memory_space<vmem>>, %arg23: memref<640xf32, #tpu.memory_space<vmem>>, %arg24: memref<640xf32, #tpu.memory_space<vmem>>, %arg25: memref<!tpu.dma_semaphore, #tpu.memory_space<semaphore_mem>>, %arg26: memref<!tpu.dma_semaphore, #tpu.memory_space<semaphore_mem>>, %arg27: memref<!tpu.dma_semaphore, #tpu.memory_space<semaphore_mem>>, %arg28: memref<!tpu.dma_semaphore, #tpu.memory_space<semaphore_mem>>, %arg29: memref<!tpu.dma_semaphore, #tpu.memory_space<semaphore_mem>>, %arg30: memref<!tpu.dma_semaphore, #tpu.memory_space<semaphore_mem>>) attributes {dimension_semantics = [#tpu.dimension_semantics<core_parallel>, #tpu.dimension_semantics<subcore_parallel>], iteration_bounds = array<i64: 2, 16>, scalar_prefetch = 0 : i64, scratch_operands = 24 : i64, tpu.core_type = #tpu.core_type<sc_vector_subcore>, window_params = [{transform_indices = #map}, {transform_indices = #map}, {transform_indices = #map}, {transform_indices = #map}, {transform_indices = #map}]} {
    %broadcast_in_dim3A = arith.constant 0.000000e+00 : f32
    %broadcast_in_dim3A_0 = vector.broadcast %broadcast_in_dim3A : f32 to vector<16xf32>
    %scan3A = arith.constant 0 : i32
    %scan3A_1 = arith.constant 0 : i32
    %scan3A_2 = arith.constant 120 : i32
    %scan3A_3 = arith.addi %scan3A_1, %scan3A_2 : i32
    %scan3A_4 = arith.constant 1 : i32
    %scan3A_5 = scf.for %scan3A_79 = %scan3A_1 to %scan3A_3 step %scan3A_4 iter_args(%scan3A_80 = %scan3A) -> (i32)  : i32 {
      %mul3A_81 = arith.constant 16 : i32
      %mul3A_82 = arith.muli %scan3A_79, %mul3A_81 : i32
      %swap3A = arith.index_cast %mul3A_82 : i32 to index
      %swap3A_83 = tpu.vector_load %arg8[%swap3A] {strides = array<i32>} : memref<1920xf32, #tpu.memory_space<vmem>>, vector<16xf32>,
      %swap3A_84 = vector.shape_cast %swap3A_83 : vector<16xf32> to vector<16xf32>
      %swap3A_85 = vector.shape_cast %broadcast_in_dim3A_0 : vector<16xf32> to vector<16xf32>
      tpu.vector_store %arg8[%swap3A], %swap3A_85 {strides = array<i32>} : memref<1920xf32, #tpu.memory_space<vmem>>, vector<16xf32>,
      %scan3A_86 = arith.constant 0 : i32
      scf.yield %scan3A_86 : i32
    }
    %scan3A_6 = arith.constant 120 : i32
    %mul3A = arith.constant 1920 : i32
    %mul3A_7 = arith.muli %arg1, %mul3A : i32
    "tpu.region"() ({
      %run_scoped3A = tpu.sem_alloc : memref<!tpu.dma_semaphore, #tpu.memory_space<semaphore_mem>>
      %dma_start3A_79 = tpu.memref_slice %arg7[%mul3A_7] : memref<30720xf32, #tpu.memory_space<vmem_shared>> -> memref<1920xf32, #tpu.memory_space<vmem_shared>>
      %dma_start3A_80 = tpu.memref_slice %arg7[%mul3A_7] : memref<30720xf32, #tpu.memory_space<vmem_shared>> -> memref<1920xf32, #tpu.memory_space<vmem_shared>>
      tpu.enqueue_dma source(%arg8 : memref<1920xf32, #tpu.memory_space<vmem>>) target(%dma_start3A_80 : memref<1920xf32, #tpu.memory_space<vmem_shared>>) target_semaphore(%run_scoped3A : memref<!tpu.dma_semaphore, #tpu.memory_space<semaphore_mem>>)
      %dma_wait3A_81 = tpu.memref_slice %arg7[%mul3A_7] : memref<30720xf32, #tpu.memory_space<vmem_shared>> -> memref<1920xf32, #tpu.memory_space<vmem_shared>>
      %dma_wait3A_82 = tpu.memref_slice %arg7[%mul3A_7] : memref<30720xf32, #tpu.memory_space<vmem_shared>> -> memref<1920xf32, #tpu.memory_space<vmem_shared>>
      tpu.wait_dma2 semaphore(%run_scoped3A : memref<!tpu.dma_semaphore, #tpu.memory_space<semaphore_mem>>) src(%arg8 : memref<1920xf32, #tpu.memory_space<vmem>>) dst(%dma_wait3A_82 : memref<1920xf32, #tpu.memory_space<vmem_shared>>)
      tpu.yield
    }) : () -> ()
    %barrier3A = arith.constant 0 : index
    tpu.barrier barrier_id(%barrier3A)
    %mul3A_8 = arith.constant 61440 : i32
    %mul3A_9 = arith.muli %arg1, %mul3A_8 : i32
    %add3A = arith.constant 0 : i32
    %add3A_10 = arith.addi %mul3A_9, %add3A : i32
    %dma_start3A = tpu.memref_slice %arg3[%add3A_10] : memref<983040xi32, #tpu.memory_space<hbm>> -> memref<1280xi32, #tpu.memory_space<hbm>>
    %dma_start3A_11 = tpu.memref_slice %arg3[%add3A_10] : memref<983040xi32, #tpu.memory_space<hbm>> -> memref<1280xi32, #tpu.memory_space<hbm>>
    tpu.enqueue_dma source(%dma_start3A_11 : memref<1280xi32, #tpu.memory_space<hbm>>) target(%arg9 : memref<1280xi32, #tpu.memory_space<vmem>>) target_semaphore(%arg25 : memref<!tpu.dma_semaphore, #tpu.memory_space<semaphore_mem>>)
    %dma_start3A_12 = tpu.memref_slice %arg4[%add3A_10] : memref<983040xf32, #tpu.memory_space<hbm>> -> memref<1280xf32, #tpu.memory_space<hbm>>
    %dma_start3A_13 = tpu.memref_slice %arg4[%add3A_10] : memref<983040xf32, #tpu.memory_space<hbm>> -> memref<1280xf32, #tpu.memory_space<hbm>>
    tpu.enqueue_dma source(%dma_start3A_13 : memref<1280xf32, #tpu.memory_space<hbm>>) target(%arg11 : memref<1280xf32, #tpu.memory_space<vmem>>) target_semaphore(%arg25 : memref<!tpu.dma_semaphore, #tpu.memory_space<semaphore_mem>>)
    %add3A_14 = arith.constant 1280 : i32
    %add3A_15 = arith.addi %mul3A_9, %add3A_14 : i32
    %dma_start3A_16 = tpu.memref_slice %arg3[%add3A_15] : memref<983040xi32, #tpu.memory_space<hbm>> -> memref<1280xi32, #tpu.memory_space<hbm>>
    %dma_start3A_17 = tpu.memref_slice %arg3[%add3A_15] : memref<983040xi32, #tpu.memory_space<hbm>> -> memref<1280xi32, #tpu.memory_space<hbm>>
    tpu.enqueue_dma source(%dma_start3A_17 : memref<1280xi32, #tpu.memory_space<hbm>>) target(%arg10 : memref<1280xi32, #tpu.memory_space<vmem>>) target_semaphore(%arg26 : memref<!tpu.dma_semaphore, #tpu.memory_space<semaphore_mem>>)
    %dma_start3A_18 = tpu.memref_slice %arg4[%add3A_15] : memref<983040xf32, #tpu.memory_space<hbm>> -> memref<1280xf32, #tpu.memory_space<hbm>>
    %dma_start3A_19 = tpu.memref_slice %arg4[%add3A_15] : memref<983040xf32, #tpu.memory_space<hbm>> -> memref<1280xf32, #tpu.memory_space<hbm>>
    tpu.enqueue_dma source(%dma_start3A_19 : memref<1280xf32, #tpu.memory_space<hbm>>) target(%arg12 : memref<1280xf32, #tpu.memory_space<vmem>>) target_semaphore(%arg26 : memref<!tpu.dma_semaphore, #tpu.memory_space<semaphore_mem>>)
    %scan3A_20 = arith.constant 0 : i32
    %scan3A_21 = arith.constant 0 : i32
    %scan3A_22 = arith.constant 24 : i32
    %scan3A_23 = arith.addi %scan3A_21, %scan3A_22 : i32
    %scan3A_24 = arith.constant 1 : i32
    %scan3A_25 = scf.for %scan3A_79 = %scan3A_21 to %scan3A_23 step %scan3A_24 iter_args(%scan3A_80 = %scan3A_20) -> (i32)  : i32 {
      %mul3A_81 = arith.constant 2 : i32
      %mul3A_82 = arith.muli %mul3A_81, %scan3A_79 : i32
      %mul3A_83 = arith.constant 1280 : i32
      %mul3A_84 = arith.muli %mul3A_82, %mul3A_83 : i32
      %add3A_85 = arith.addi %mul3A_9, %mul3A_84 : i32
      %dma_wait3A_86 = tpu.memref_slice %arg3[%add3A_85] : memref<983040xi32, #tpu.memory_space<hbm>> -> memref<1280xi32, #tpu.memory_space<hbm>>
      %dma_wait3A_87 = tpu.memref_slice %arg3[%add3A_85] : memref<983040xi32, #tpu.memory_space<hbm>> -> memref<1280xi32, #tpu.memory_space<hbm>>
      tpu.wait_dma2 semaphore(%arg25 : memref<!tpu.dma_semaphore, #tpu.memory_space<semaphore_mem>>) src(%dma_wait3A_87 : memref<1280xi32, #tpu.memory_space<hbm>>) dst(%arg9 : memref<1280xi32, #tpu.memory_space<vmem>>)
      %dma_wait3A_88 = tpu.memref_slice %arg4[%add3A_85] : memref<983040xf32, #tpu.memory_space<hbm>> -> memref<1280xf32, #tpu.memory_space<hbm>>
      %dma_wait3A_89 = tpu.memref_slice %arg4[%add3A_85] : memref<983040xf32, #tpu.memory_space<hbm>> -> memref<1280xf32, #tpu.memory_space<hbm>>
      tpu.wait_dma2 semaphore(%arg25 : memref<!tpu.dma_semaphore, #tpu.memory_space<semaphore_mem>>) src(%dma_wait3A_89 : memref<1280xf32, #tpu.memory_space<hbm>>) dst(%arg11 : memref<1280xf32, #tpu.memory_space<vmem>>)
      "tpu.region"() ({
        %run_scoped3A = tpu.sem_alloc : memref<!tpu.dma_semaphore, #tpu.memory_space<semaphore_mem>>
        %dma_start3A_111 = arith.constant 0 : i32
        %dma_start3A_112 = tpu.memref_slice %arg7[%dma_start3A_111] : memref<30720xf32, #tpu.memory_space<vmem_shared>> -> memref<30720xf32, #tpu.memory_space<vmem_shared>>
        tpu.enqueue_indirect_dma source(%arg11 : memref<1280xf32, #tpu.memory_space<vmem>>) target(%dma_start3A_112 : memref<30720xf32, #tpu.memory_space<vmem_shared>>) offsets(%arg9 : memref<1280xi32, #tpu.memory_space<vmem>>) semaphore(%run_scoped3A : memref<!tpu.dma_semaphore, #tpu.memory_space<semaphore_mem>>) {add = true}
        %dma_wait3A_113 = arith.constant 0 : i32
        %dma_wait3A_114 = tpu.memref_slice %arg7[%dma_wait3A_113] : memref<30720xf32, #tpu.memory_space<vmem_shared>> -> memref<30720xf32, #tpu.memory_space<vmem_shared>>
        tpu.wait_indirect_dma semaphore(%run_scoped3A : memref<!tpu.dma_semaphore, #tpu.memory_space<semaphore_mem>>) src(%arg11 : memref<1280xf32, #tpu.memory_space<vmem>>) dst(%dma_wait3A_114 : memref<30720xf32, #tpu.memory_space<vmem_shared>>)
        tpu.yield
      }) : () -> ()
      %add3A_90 = arith.constant 2 : i32
      %add3A_91 = arith.addi %mul3A_82, %add3A_90 : i32
      %lt3A = arith.constant 48 : i32
      %lt3A_92 = arith.cmpi slt, %add3A_91, %lt3A : i32
      %convert_element_type3A = arith.extui %lt3A_92 : i1 to i32
      %cond3A = arith.constant 0 : i32
      %cond3A_93 = arith.cmpi ne, %convert_element_type3A, %cond3A : i32
      scf.if %cond3A_93 {
        %add3A_111 = arith.constant 2 : i32
        %add3A_112 = arith.addi %mul3A_82, %add3A_111 : i32
        %mul3A_113 = arith.constant 1280 : i32
        %mul3A_114 = arith.muli %add3A_112, %mul3A_113 : i32
        %add3A_115 = arith.addi %mul3A_9, %mul3A_114 : i32
        %dma_start3A_116 = tpu.memref_slice %arg3[%add3A_115] : memref<983040xi32, #tpu.memory_space<hbm>> -> memref<1280xi32, #tpu.memory_space<hbm>>
        %dma_start3A_117 = tpu.memref_slice %arg3[%add3A_115] : memref<983040xi32, #tpu.memory_space<hbm>> -> memref<1280xi32, #tpu.memory_space<hbm>>
        tpu.enqueue_dma source(%dma_start3A_117 : memref<1280xi32, #tpu.memory_space<hbm>>) target(%arg9 : memref<1280xi32, #tpu.memory_space<vmem>>) target_semaphore(%arg25 : memref<!tpu.dma_semaphore, #tpu.memory_space<semaphore_mem>>)
        %dma_start3A_118 = tpu.memref_slice %arg4[%add3A_115] : memref<983040xf32, #tpu.memory_space<hbm>> -> memref<1280xf32, #tpu.memory_space<hbm>>
        %dma_start3A_119 = tpu.memref_slice %arg4[%add3A_115] : memref<983040xf32, #tpu.memory_space<hbm>> -> memref<1280xf32, #tpu.memory_space<hbm>>
        tpu.enqueue_dma source(%dma_start3A_119 : memref<1280xf32, #tpu.memory_space<hbm>>) target(%arg11 : memref<1280xf32, #tpu.memory_space<vmem>>) target_semaphore(%arg25 : memref<!tpu.dma_semaphore, #tpu.memory_space<semaphore_mem>>)
      } else {
      }
      %add3A_94 = arith.constant 1 : i32
      %add3A_95 = arith.addi %mul3A_82, %add3A_94 : i32
      %mul3A_96 = arith.constant 1280 : i32
      %mul3A_97 = arith.muli %add3A_95, %mul3A_96 : i32
      %add3A_98 = arith.addi %mul3A_9, %mul3A_97 : i32
      %dma_wait3A_99 = tpu.memref_slice %arg3[%add3A_98] : memref<983040xi32, #tpu.memory_space<hbm>> -> memref<1280xi32, #tpu.memory_space<hbm>>
      %dma_wait3A_100 = tpu.memref_slice %arg3[%add3A_98] : memref<983040xi32, #tpu.memory_space<hbm>> -> memref<1280xi32, #tpu.memory_space<hbm>>
      tpu.wait_dma2 semaphore(%arg26 : memref<!tpu.dma_semaphore, #tpu.memory_space<semaphore_mem>>) src(%dma_wait3A_100 : memref<1280xi32, #tpu.memory_space<hbm>>) dst(%arg10 : memref<1280xi32, #tpu.memory_space<vmem>>)
      %dma_wait3A_101 = tpu.memref_slice %arg4[%add3A_98] : memref<983040xf32, #tpu.memory_space<hbm>> -> memref<1280xf32, #tpu.memory_space<hbm>>
      %dma_wait3A_102 = tpu.memref_slice %arg4[%add3A_98] : memref<983040xf32, #tpu.memory_space<hbm>> -> memref<1280xf32, #tpu.memory_space<hbm>>
      tpu.wait_dma2 semaphore(%arg26 : memref<!tpu.dma_semaphore, #tpu.memory_space<semaphore_mem>>) src(%dma_wait3A_102 : memref<1280xf32, #tpu.memory_space<hbm>>) dst(%arg12 : memref<1280xf32, #tpu.memory_space<vmem>>)
      "tpu.region"() ({
        %run_scoped3A = tpu.sem_alloc : memref<!tpu.dma_semaphore, #tpu.memory_space<semaphore_mem>>
        %dma_start3A_111 = arith.constant 0 : i32
        %dma_start3A_112 = tpu.memref_slice %arg7[%dma_start3A_111] : memref<30720xf32, #tpu.memory_space<vmem_shared>> -> memref<30720xf32, #tpu.memory_space<vmem_shared>>
        tpu.enqueue_indirect_dma source(%arg12 : memref<1280xf32, #tpu.memory_space<vmem>>) target(%dma_start3A_112 : memref<30720xf32, #tpu.memory_space<vmem_shared>>) offsets(%arg10 : memref<1280xi32, #tpu.memory_space<vmem>>) semaphore(%run_scoped3A : memref<!tpu.dma_semaphore, #tpu.memory_space<semaphore_mem>>) {add = true}
        %dma_wait3A_113 = arith.constant 0 : i32
        %dma_wait3A_114 = tpu.memref_slice %arg7[%dma_wait3A_113] : memref<30720xf32, #tpu.memory_space<vmem_shared>> -> memref<30720xf32, #tpu.memory_space<vmem_shared>>
        tpu.wait_indirect_dma semaphore(%run_scoped3A : memref<!tpu.dma_semaphore, #tpu.memory_space<semaphore_mem>>) src(%arg12 : memref<1280xf32, #tpu.memory_space<vmem>>) dst(%dma_wait3A_114 : memref<30720xf32, #tpu.memory_space<vmem_shared>>)
        tpu.yield
      }) : () -> ()
      %add3A_103 = arith.constant 3 : i32
      %add3A_104 = arith.addi %mul3A_82, %add3A_103 : i32
      %lt3A_105 = arith.constant 48 : i32
      %lt3A_106 = arith.cmpi slt, %add3A_104, %lt3A_105 : i32
      %convert_element_type3A_107 = arith.extui %lt3A_106 : i1 to i32
      %cond3A_108 = arith.constant 0 : i32
      %cond3A_109 = arith.cmpi ne, %convert_element_type3A_107, %cond3A_108 : i32
      scf.if %cond3A_109 {
        %add3A_111 = arith.constant 3 : i32
        %add3A_112 = arith.addi %mul3A_82, %add3A_111 : i32
        %mul3A_113 = arith.constant 1280 : i32
        %mul3A_114 = arith.muli %add3A_112, %mul3A_113 : i32
        %add3A_115 = arith.addi %mul3A_9, %mul3A_114 : i32
        %dma_start3A_116 = tpu.memref_slice %arg3[%add3A_115] : memref<983040xi32, #tpu.memory_space<hbm>> -> memref<1280xi32, #tpu.memory_space<hbm>>
        %dma_start3A_117 = tpu.memref_slice %arg3[%add3A_115] : memref<983040xi32, #tpu.memory_space<hbm>> -> memref<1280xi32, #tpu.memory_space<hbm>>
        tpu.enqueue_dma source(%dma_start3A_117 : memref<1280xi32, #tpu.memory_space<hbm>>) target(%arg10 : memref<1280xi32, #tpu.memory_space<vmem>>) target_semaphore(%arg26 : memref<!tpu.dma_semaphore, #tpu.memory_space<semaphore_mem>>)
        %dma_start3A_118 = tpu.memref_slice %arg4[%add3A_115] : memref<983040xf32, #tpu.memory_space<hbm>> -> memref<1280xf32, #tpu.memory_space<hbm>>
        %dma_start3A_119 = tpu.memref_slice %arg4[%add3A_115] : memref<983040xf32, #tpu.memory_space<hbm>> -> memref<1280xf32, #tpu.memory_space<hbm>>
        tpu.enqueue_dma source(%dma_start3A_119 : memref<1280xf32, #tpu.memory_space<hbm>>) target(%arg12 : memref<1280xf32, #tpu.memory_space<vmem>>) target_semaphore(%arg26 : memref<!tpu.dma_semaphore, #tpu.memory_space<semaphore_mem>>)
      } else {
      }
      %scan3A_110 = arith.constant 0 : i32
      scf.yield %scan3A_110 : i32
    }
    %scan3A_26 = arith.constant 24 : i32
    %barrier3A_27 = arith.constant 0 : index
    tpu.barrier barrier_id(%barrier3A_27)
    %mul3A_28 = arith.constant 1920 : i32
    %mul3A_29 = arith.muli %arg1, %mul3A_28 : i32
    "tpu.region"() ({
      %run_scoped3A = tpu.sem_alloc : memref<!tpu.dma_semaphore, #tpu.memory_space<semaphore_mem>>
      %dma_start3A_79 = tpu.memref_slice %arg7[%mul3A_29] : memref<30720xf32, #tpu.memory_space<vmem_shared>> -> memref<1920xf32, #tpu.memory_space<vmem_shared>>
      %dma_start3A_80 = tpu.memref_slice %arg7[%mul3A_29] : memref<30720xf32, #tpu.memory_space<vmem_shared>> -> memref<1920xf32, #tpu.memory_space<vmem_shared>>
      tpu.enqueue_dma source(%dma_start3A_80 : memref<1920xf32, #tpu.memory_space<vmem_shared>>) target(%arg8 : memref<1920xf32, #tpu.memory_space<vmem>>) target_semaphore(%run_scoped3A : memref<!tpu.dma_semaphore, #tpu.memory_space<semaphore_mem>>)
      %dma_wait3A_81 = tpu.memref_slice %arg7[%mul3A_29] : memref<30720xf32, #tpu.memory_space<vmem_shared>> -> memref<1920xf32, #tpu.memory_space<vmem_shared>>
      %dma_wait3A_82 = tpu.memref_slice %arg7[%mul3A_29] : memref<30720xf32, #tpu.memory_space<vmem_shared>> -> memref<1920xf32, #tpu.memory_space<vmem_shared>>
      tpu.wait_dma2 semaphore(%run_scoped3A : memref<!tpu.dma_semaphore, #tpu.memory_space<semaphore_mem>>) src(%dma_wait3A_82 : memref<1920xf32, #tpu.memory_space<vmem_shared>>) dst(%arg8 : memref<1920xf32, #tpu.memory_space<vmem>>)
      tpu.yield
    }) : () -> ()
    %scan3A_30 = arith.constant 0 : i32
    %scan3A_31 = arith.constant 0 : i32
    %scan3A_32 = arith.constant 120 : i32
    %scan3A_33 = arith.addi %scan3A_31, %scan3A_32 : i32
    %scan3A_34 = arith.constant 1 : i32
    %scan3A_35 = scf.for %scan3A_79 = %scan3A_31 to %scan3A_33 step %scan3A_34 iter_args(%scan3A_80 = %scan3A_30) -> (i32)  : i32 {
      %mul3A_81 = arith.constant 16 : i32
      %mul3A_82 = arith.muli %scan3A_79, %mul3A_81 : i32
      %get3A = arith.index_cast %mul3A_82 : i32 to index
      %get3A_83 = tpu.vector_load %arg8[%get3A] {strides = array<i32>} : memref<1920xf32, #tpu.memory_space<vmem>>, vector<16xf32>,
      %get3A_84 = vector.shape_cast %get3A_83 : vector<16xf32> to vector<16xf32>
      %add3A_85 = arith.constant 1.000000e+00 : f32
      %add3A_86 = vector.broadcast %add3A_85 : f32 to vector<16xf32>
      %add3A_87 = arith.addf %get3A_84, %add3A_86 : vector<16xf32>
      %add3A_88 = arith.constant 1.000000e+00 : f32
      %add3A_89 = vector.broadcast %add3A_88 : f32 to vector<16xf32>
      %add3A_90 = arith.addf %add3A_87, %add3A_89 : vector<16xf32>
      %mul3A_91 = arith.constant 5.000000e-01 : f32
      %mul3A_92 = vector.broadcast %mul3A_91 : f32 to vector<16xf32>
      %mul3A_93 = arith.mulf %mul3A_92, %add3A_90 : vector<16xf32>
      %div3A = arith.divf %add3A_87, %mul3A_93 : vector<16xf32>
      %add3A_94 = arith.addf %mul3A_93, %div3A : vector<16xf32>
      %mul3A_95 = arith.constant 5.000000e-01 : f32
      %mul3A_96 = vector.broadcast %mul3A_95 : f32 to vector<16xf32>
      %mul3A_97 = arith.mulf %mul3A_96, %add3A_94 : vector<16xf32>
      %div3A_98 = arith.divf %add3A_87, %mul3A_97 : vector<16xf32>
      %add3A_99 = arith.addf %mul3A_97, %div3A_98 : vector<16xf32>
      %mul3A_100 = arith.constant 5.000000e-01 : f32
      %mul3A_101 = vector.broadcast %mul3A_100 : f32 to vector<16xf32>
      %mul3A_102 = arith.mulf %mul3A_101, %add3A_99 : vector<16xf32>
      %div3A_103 = arith.divf %add3A_87, %mul3A_102 : vector<16xf32>
      %add3A_104 = arith.addf %mul3A_102, %div3A_103 : vector<16xf32>
      %mul3A_105 = arith.constant 5.000000e-01 : f32
      %mul3A_106 = vector.broadcast %mul3A_105 : f32 to vector<16xf32>
      %mul3A_107 = arith.mulf %mul3A_106, %add3A_104 : vector<16xf32>
      %div3A_108 = arith.divf %add3A_87, %mul3A_107 : vector<16xf32>
      %add3A_109 = arith.addf %mul3A_107, %div3A_108 : vector<16xf32>
      %mul3A_110 = arith.constant 5.000000e-01 : f32
      %mul3A_111 = vector.broadcast %mul3A_110 : f32 to vector<16xf32>
      %mul3A_112 = arith.mulf %mul3A_111, %add3A_109 : vector<16xf32>
      %div3A_113 = arith.divf %add3A_87, %mul3A_112 : vector<16xf32>
      %add3A_114 = arith.addf %mul3A_112, %div3A_113 : vector<16xf32>
      %mul3A_115 = arith.constant 5.000000e-01 : f32
      %mul3A_116 = vector.broadcast %mul3A_115 : f32 to vector<16xf32>
      %mul3A_117 = arith.mulf %mul3A_116, %add3A_114 : vector<16xf32>
      %div3A_118 = arith.divf %add3A_87, %mul3A_117 : vector<16xf32>
      %add3A_119 = arith.addf %mul3A_117, %div3A_118 : vector<16xf32>
      %mul3A_120 = arith.constant 5.000000e-01 : f32
      %mul3A_121 = vector.broadcast %mul3A_120 : f32 to vector<16xf32>
      %mul3A_122 = arith.mulf %mul3A_121, %add3A_119 : vector<16xf32>
      %div3A_123 = arith.divf %add3A_87, %mul3A_122 : vector<16xf32>
      %add3A_124 = arith.addf %mul3A_122, %div3A_123 : vector<16xf32>
      %mul3A_125 = arith.constant 5.000000e-01 : f32
      %mul3A_126 = vector.broadcast %mul3A_125 : f32 to vector<16xf32>
      %mul3A_127 = arith.mulf %mul3A_126, %add3A_124 : vector<16xf32>
      %div3A_128 = arith.divf %add3A_87, %mul3A_127 : vector<16xf32>
      %add3A_129 = arith.addf %mul3A_127, %div3A_128 : vector<16xf32>
      %mul3A_130 = arith.constant 5.000000e-01 : f32
      %mul3A_131 = vector.broadcast %mul3A_130 : f32 to vector<16xf32>
      %mul3A_132 = arith.mulf %mul3A_131, %add3A_129 : vector<16xf32>
      %div3A_133 = arith.divf %add3A_87, %mul3A_132 : vector<16xf32>
      %add3A_134 = arith.addf %mul3A_132, %div3A_133 : vector<16xf32>
      %mul3A_135 = arith.constant 5.000000e-01 : f32
      %mul3A_136 = vector.broadcast %mul3A_135 : f32 to vector<16xf32>
      %mul3A_137 = arith.mulf %mul3A_136, %add3A_134 : vector<16xf32>
      %div3A_138 = arith.divf %add3A_87, %mul3A_137 : vector<16xf32>
      %add3A_139 = arith.addf %mul3A_137, %div3A_138 : vector<16xf32>
      %mul3A_140 = arith.constant 5.000000e-01 : f32
      %mul3A_141 = vector.broadcast %mul3A_140 : f32 to vector<16xf32>
      %mul3A_142 = arith.mulf %mul3A_141, %add3A_139 : vector<16xf32>
      %div3A_143 = arith.divf %add3A_87, %mul3A_142 : vector<16xf32>
      %add3A_144 = arith.addf %mul3A_142, %div3A_143 : vector<16xf32>
      %mul3A_145 = arith.constant 5.000000e-01 : f32
      %mul3A_146 = vector.broadcast %mul3A_145 : f32 to vector<16xf32>
      %mul3A_147 = arith.mulf %mul3A_146, %add3A_144 : vector<16xf32>
      %div3A_148 = arith.divf %add3A_87, %mul3A_147 : vector<16xf32>
      %add3A_149 = arith.addf %mul3A_147, %div3A_148 : vector<16xf32>
      %mul3A_150 = arith.constant 5.000000e-01 : f32
      %mul3A_151 = vector.broadcast %mul3A_150 : f32 to vector<16xf32>
      %mul3A_152 = arith.mulf %mul3A_151, %add3A_149 : vector<16xf32>
      %div3A_153 = arith.divf %add3A_87, %mul3A_152 : vector<16xf32>
      %add3A_154 = arith.addf %mul3A_152, %div3A_153 : vector<16xf32>
      %mul3A_155 = arith.constant 5.000000e-01 : f32
      %mul3A_156 = vector.broadcast %mul3A_155 : f32 to vector<16xf32>
      %mul3A_157 = arith.mulf %mul3A_156, %add3A_154 : vector<16xf32>
      %div3A_158 = arith.constant 1.000000e+00 : f32
      %div3A_159 = vector.broadcast %div3A_158 : f32 to vector<16xf32>
      %div3A_160 = arith.divf %div3A_159, %mul3A_157 : vector<16xf32>
      %mul3A_161 = arith.constant 16 : i32
      %mul3A_162 = arith.muli %scan3A_79, %mul3A_161 : i32
      %swap3A = arith.index_cast %mul3A_162 : i32 to index
      %swap3A_163 = tpu.vector_load %arg8[%swap3A] {strides = array<i32>} : memref<1920xf32, #tpu.memory_space<vmem>>, vector<16xf32>,
      %swap3A_164 = vector.shape_cast %swap3A_163 : vector<16xf32> to vector<16xf32>
      %swap3A_165 = vector.shape_cast %div3A_160 : vector<16xf32> to vector<16xf32>
      tpu.vector_store %arg8[%swap3A], %swap3A_165 {strides = array<i32>} : memref<1920xf32, #tpu.memory_space<vmem>>, vector<16xf32>,
      %scan3A_166 = arith.constant 0 : i32
      scf.yield %scan3A_166 : i32
    }
    %scan3A_36 = arith.constant 120 : i32
    %mul3A_37 = arith.constant 1920 : i32
    %mul3A_38 = arith.muli %arg1, %mul3A_37 : i32
    "tpu.region"() ({
      %run_scoped3A = tpu.sem_alloc : memref<!tpu.dma_semaphore, #tpu.memory_space<semaphore_mem>>
      %dma_start3A_79 = tpu.memref_slice %arg6[%mul3A_38] : memref<30720xf32, #tpu.memory_space<hbm>> -> memref<1920xf32, #tpu.memory_space<hbm>>
      %dma_start3A_80 = tpu.memref_slice %arg6[%mul3A_38] : memref<30720xf32, #tpu.memory_space<hbm>> -> memref<1920xf32, #tpu.memory_space<hbm>>
      tpu.enqueue_dma source(%arg8 : memref<1920xf32, #tpu.memory_space<vmem>>) target(%dma_start3A_80 : memref<1920xf32, #tpu.memory_space<hbm>>) target_semaphore(%run_scoped3A : memref<!tpu.dma_semaphore, #tpu.memory_space<semaphore_mem>>)
      %dma_wait3A_81 = tpu.memref_slice %arg6[%mul3A_38] : memref<30720xf32, #tpu.memory_space<hbm>> -> memref<1920xf32, #tpu.memory_space<hbm>>
      %dma_wait3A_82 = tpu.memref_slice %arg6[%mul3A_38] : memref<30720xf32, #tpu.memory_space<hbm>> -> memref<1920xf32, #tpu.memory_space<hbm>>
      tpu.wait_dma2 semaphore(%run_scoped3A : memref<!tpu.dma_semaphore, #tpu.memory_space<semaphore_mem>>) src(%arg8 : memref<1920xf32, #tpu.memory_space<vmem>>) dst(%dma_wait3A_82 : memref<1920xf32, #tpu.memory_space<hbm>>)
      tpu.yield
    }) : () -> ()
    %barrier3A_39 = arith.constant 0 : index
    tpu.barrier barrier_id(%barrier3A_39)
    %mul3A_40 = arith.constant 16 : i32
    %mul3A_41 = arith.muli %arg0, %mul3A_40 : i32
    %add3A_42 = arith.addi %mul3A_41, %arg1 : i32
    %mul3A_43 = arith.constant 30720 : i32
    %mul3A_44 = arith.muli %add3A_42, %mul3A_43 : i32
    %add3A_45 = arith.constant 0 : i32
    %add3A_46 = arith.addi %mul3A_44, %add3A_45 : i32
    %dma_start3A_47 = tpu.memref_slice %arg2[%add3A_46] : memref<983040xi32, #tpu.memory_space<hbm>> -> memref<640xi32, #tpu.memory_space<hbm>>
    %dma_start3A_48 = tpu.memref_slice %arg2[%add3A_46] : memref<983040xi32, #tpu.memory_space<hbm>> -> memref<640xi32, #tpu.memory_space<hbm>>
    tpu.enqueue_dma source(%dma_start3A_48 : memref<640xi32, #tpu.memory_space<hbm>>) target(%arg13 : memref<640xi32, #tpu.memory_space<vmem>>) target_semaphore(%arg27 : memref<!tpu.dma_semaphore, #tpu.memory_space<semaphore_mem>>)
    %dma_start3A_49 = tpu.memref_slice %arg3[%add3A_46] : memref<983040xi32, #tpu.memory_space<hbm>> -> memref<640xi32, #tpu.memory_space<hbm>>
    %dma_start3A_50 = tpu.memref_slice %arg3[%add3A_46] : memref<983040xi32, #tpu.memory_space<hbm>> -> memref<640xi32, #tpu.memory_space<hbm>>
    tpu.enqueue_dma source(%dma_start3A_50 : memref<640xi32, #tpu.memory_space<hbm>>) target(%arg15 : memref<640xi32, #tpu.memory_space<vmem>>) target_semaphore(%arg27 : memref<!tpu.dma_semaphore, #tpu.memory_space<semaphore_mem>>)
    %dma_start3A_51 = tpu.memref_slice %arg4[%add3A_46] : memref<983040xf32, #tpu.memory_space<hbm>> -> memref<640xf32, #tpu.memory_space<hbm>>
    %dma_start3A_52 = tpu.memref_slice %arg4[%add3A_46] : memref<983040xf32, #tpu.memory_space<hbm>> -> memref<640xf32, #tpu.memory_space<hbm>>
    tpu.enqueue_dma source(%dma_start3A_52 : memref<640xf32, #tpu.memory_space<hbm>>) target(%arg17 : memref<640xf32, #tpu.memory_space<vmem>>) target_semaphore(%arg27 : memref<!tpu.dma_semaphore, #tpu.memory_space<semaphore_mem>>)
    %add3A_53 = arith.constant 0 : i32
    %add3A_54 = arith.addi %mul3A_44, %add3A_53 : i32
    %dma_wait3A = tpu.memref_slice %arg2[%add3A_54] : memref<983040xi32, #tpu.memory_space<hbm>> -> memref<640xi32, #tpu.memory_space<hbm>>
    %dma_wait3A_55 = tpu.memref_slice %arg2[%add3A_54] : memref<983040xi32, #tpu.memory_space<hbm>> -> memref<640xi32, #tpu.memory_space<hbm>>
    tpu.wait_dma2 semaphore(%arg27 : memref<!tpu.dma_semaphore, #tpu.memory_space<semaphore_mem>>) src(%dma_wait3A_55 : memref<640xi32, #tpu.memory_space<hbm>>) dst(%arg13 : memref<640xi32, #tpu.memory_space<vmem>>)
    %dma_wait3A_56 = tpu.memref_slice %arg3[%add3A_54] : memref<983040xi32, #tpu.memory_space<hbm>> -> memref<640xi32, #tpu.memory_space<hbm>>
    %dma_wait3A_57 = tpu.memref_slice %arg3[%add3A_54] : memref<983040xi32, #tpu.memory_space<hbm>> -> memref<640xi32, #tpu.memory_space<hbm>>
    tpu.wait_dma2 semaphore(%arg27 : memref<!tpu.dma_semaphore, #tpu.memory_space<semaphore_mem>>) src(%dma_wait3A_57 : memref<640xi32, #tpu.memory_space<hbm>>) dst(%arg15 : memref<640xi32, #tpu.memory_space<vmem>>)
    %dma_wait3A_58 = tpu.memref_slice %arg4[%add3A_54] : memref<983040xf32, #tpu.memory_space<hbm>> -> memref<640xf32, #tpu.memory_space<hbm>>
    %dma_wait3A_59 = tpu.memref_slice %arg4[%add3A_54] : memref<983040xf32, #tpu.memory_space<hbm>> -> memref<640xf32, #tpu.memory_space<hbm>>
    tpu.wait_dma2 semaphore(%arg27 : memref<!tpu.dma_semaphore, #tpu.memory_space<semaphore_mem>>) src(%dma_wait3A_59 : memref<640xf32, #tpu.memory_space<hbm>>) dst(%arg17 : memref<640xf32, #tpu.memory_space<vmem>>)
    %dma_start3A_60 = arith.constant 0 : i32
    %dma_start3A_61 = tpu.memref_slice %arg6[%dma_start3A_60] : memref<30720xf32, #tpu.memory_space<hbm>> -> memref<30720xf32, #tpu.memory_space<hbm>>
    tpu.enqueue_indirect_dma source(%dma_start3A_61 : memref<30720xf32, #tpu.memory_space<hbm>>) target(%arg19 : memref<640xf32, #tpu.memory_space<vmem>>) offsets(%arg13 : memref<640xi32, #tpu.memory_space<vmem>>) semaphore(%arg29 : memref<!tpu.dma_semaphore, #tpu.memory_space<semaphore_mem>>)
    %dma_start3A_62 = arith.constant 0 : i32
    %dma_start3A_63 = tpu.memref_slice %arg6[%dma_start3A_62] : memref<30720xf32, #tpu.memory_space<hbm>> -> memref<30720xf32, #tpu.memory_space<hbm>>
    tpu.enqueue_indirect_dma source(%dma_start3A_63 : memref<30720xf32, #tpu.memory_space<hbm>>) target(%arg21 : memref<640xf32, #tpu.memory_space<vmem>>) offsets(%arg15 : memref<640xi32, #tpu.memory_space<vmem>>) semaphore(%arg29 : memref<!tpu.dma_semaphore, #tpu.memory_space<semaphore_mem>>)
    %add3A_64 = arith.constant 640 : i32
    %add3A_65 = arith.addi %mul3A_44, %add3A_64 : i32
    %dma_start3A_66 = tpu.memref_slice %arg2[%add3A_65] : memref<983040xi32, #tpu.memory_space<hbm>> -> memref<640xi32, #tpu.memory_space<hbm>>
    %dma_start3A_67 = tpu.memref_slice %arg2[%add3A_65] : memref<983040xi32, #tpu.memory_space<hbm>> -> memref<640xi32, #tpu.memory_space<hbm>>
    tpu.enqueue_dma source(%dma_start3A_67 : memref<640xi32, #tpu.memory_space<hbm>>) target(%arg14 : memref<640xi32, #tpu.memory_space<vmem>>) target_semaphore(%arg28 : memref<!tpu.dma_semaphore, #tpu.memory_space<semaphore_mem>>)
    %dma_start3A_68 = tpu.memref_slice %arg3[%add3A_65] : memref<983040xi32, #tpu.memory_space<hbm>> -> memref<640xi32, #tpu.memory_space<hbm>>
    %dma_start3A_69 = tpu.memref_slice %arg3[%add3A_65] : memref<983040xi32, #tpu.memory_space<hbm>> -> memref<640xi32, #tpu.memory_space<hbm>>
    tpu.enqueue_dma source(%dma_start3A_69 : memref<640xi32, #tpu.memory_space<hbm>>) target(%arg16 : memref<640xi32, #tpu.memory_space<vmem>>) target_semaphore(%arg28 : memref<!tpu.dma_semaphore, #tpu.memory_space<semaphore_mem>>)
    %dma_start3A_70 = tpu.memref_slice %arg4[%add3A_65] : memref<983040xf32, #tpu.memory_space<hbm>> -> memref<640xf32, #tpu.memory_space<hbm>>
    %dma_start3A_71 = tpu.memref_slice %arg4[%add3A_65] : memref<983040xf32, #tpu.memory_space<hbm>> -> memref<640xf32, #tpu.memory_space<hbm>>
    tpu.enqueue_dma source(%dma_start3A_71 : memref<640xf32, #tpu.memory_space<hbm>>) target(%arg18 : memref<640xf32, #tpu.memory_space<vmem>>) target_semaphore(%arg28 : memref<!tpu.dma_semaphore, #tpu.memory_space<semaphore_mem>>)
    %scan3A_72 = arith.constant 0 : i32
    %scan3A_73 = arith.constant 0 : i32
    %scan3A_74 = arith.constant 24 : i32
    %scan3A_75 = arith.addi %scan3A_73, %scan3A_74 : i32
    %scan3A_76 = arith.constant 1 : i32
    %scan3A_77 = scf.for %scan3A_79 = %scan3A_73 to %scan3A_75 step %scan3A_76 iter_args(%scan3A_80 = %scan3A_72) -> (i32)  : i32 {
      %mul3A_81 = arith.constant 2 : i32
      %mul3A_82 = arith.muli %mul3A_81, %scan3A_79 : i32
      %dma_wait3A_83 = arith.constant 0 : i32
      %dma_wait3A_84 = tpu.memref_slice %arg6[%dma_wait3A_83] : memref<30720xf32, #tpu.memory_space<hbm>> -> memref<30720xf32, #tpu.memory_space<hbm>>
      tpu.wait_indirect_dma semaphore(%arg29 : memref<!tpu.dma_semaphore, #tpu.memory_space<semaphore_mem>>) src(%dma_wait3A_84 : memref<30720xf32, #tpu.memory_space<hbm>>) dst(%arg19 : memref<640xf32, #tpu.memory_space<vmem>>)
      %dma_wait3A_85 = arith.constant 0 : i32
      %dma_wait3A_86 = tpu.memref_slice %arg6[%dma_wait3A_85] : memref<30720xf32, #tpu.memory_space<hbm>> -> memref<30720xf32, #tpu.memory_space<hbm>>
      tpu.wait_indirect_dma semaphore(%arg29 : memref<!tpu.dma_semaphore, #tpu.memory_space<semaphore_mem>>) src(%dma_wait3A_86 : memref<30720xf32, #tpu.memory_space<hbm>>) dst(%arg21 : memref<640xf32, #tpu.memory_space<vmem>>)
      %add3A_87 = arith.constant 1 : i32
      %add3A_88 = arith.addi %mul3A_82, %add3A_87 : i32
      %mul3A_89 = arith.constant 640 : i32
      %mul3A_90 = arith.muli %add3A_88, %mul3A_89 : i32
      %add3A_91 = arith.addi %mul3A_44, %mul3A_90 : i32
      %dma_wait3A_92 = tpu.memref_slice %arg2[%add3A_91] : memref<983040xi32, #tpu.memory_space<hbm>> -> memref<640xi32, #tpu.memory_space<hbm>>
      %dma_wait3A_93 = tpu.memref_slice %arg2[%add3A_91] : memref<983040xi32, #tpu.memory_space<hbm>> -> memref<640xi32, #tpu.memory_space<hbm>>
      tpu.wait_dma2 semaphore(%arg28 : memref<!tpu.dma_semaphore, #tpu.memory_space<semaphore_mem>>) src(%dma_wait3A_93 : memref<640xi32, #tpu.memory_space<hbm>>) dst(%arg14 : memref<640xi32, #tpu.memory_space<vmem>>)
      %dma_wait3A_94 = tpu.memref_slice %arg3[%add3A_91] : memref<983040xi32, #tpu.memory_space<hbm>> -> memref<640xi32, #tpu.memory_space<hbm>>
      %dma_wait3A_95 = tpu.memref_slice %arg3[%add3A_91] : memref<983040xi32, #tpu.memory_space<hbm>> -> memref<640xi32, #tpu.memory_space<hbm>>
      tpu.wait_dma2 semaphore(%arg28 : memref<!tpu.dma_semaphore, #tpu.memory_space<semaphore_mem>>) src(%dma_wait3A_95 : memref<640xi32, #tpu.memory_space<hbm>>) dst(%arg16 : memref<640xi32, #tpu.memory_space<vmem>>)
      %dma_wait3A_96 = tpu.memref_slice %arg4[%add3A_91] : memref<983040xf32, #tpu.memory_space<hbm>> -> memref<640xf32, #tpu.memory_space<hbm>>
      %dma_wait3A_97 = tpu.memref_slice %arg4[%add3A_91] : memref<983040xf32, #tpu.memory_space<hbm>> -> memref<640xf32, #tpu.memory_space<hbm>>
      tpu.wait_dma2 semaphore(%arg28 : memref<!tpu.dma_semaphore, #tpu.memory_space<semaphore_mem>>) src(%dma_wait3A_97 : memref<640xf32, #tpu.memory_space<hbm>>) dst(%arg18 : memref<640xf32, #tpu.memory_space<vmem>>)
      %dma_start3A_98 = arith.constant 0 : i32
      %dma_start3A_99 = tpu.memref_slice %arg6[%dma_start3A_98] : memref<30720xf32, #tpu.memory_space<hbm>> -> memref<30720xf32, #tpu.memory_space<hbm>>
      tpu.enqueue_indirect_dma source(%dma_start3A_99 : memref<30720xf32, #tpu.memory_space<hbm>>) target(%arg20 : memref<640xf32, #tpu.memory_space<vmem>>) offsets(%arg14 : memref<640xi32, #tpu.memory_space<vmem>>) semaphore(%arg30 : memref<!tpu.dma_semaphore, #tpu.memory_space<semaphore_mem>>)
      %dma_start3A_100 = arith.constant 0 : i32
      %dma_start3A_101 = tpu.memref_slice %arg6[%dma_start3A_100] : memref<30720xf32, #tpu.memory_space<hbm>> -> memref<30720xf32, #tpu.memory_space<hbm>>
      tpu.enqueue_indirect_dma source(%dma_start3A_101 : memref<30720xf32, #tpu.memory_space<hbm>>) target(%arg22 : memref<640xf32, #tpu.memory_space<vmem>>) offsets(%arg16 : memref<640xi32, #tpu.memory_space<vmem>>) semaphore(%arg30 : memref<!tpu.dma_semaphore, #tpu.memory_space<semaphore_mem>>)
      %scan3A_102 = arith.constant 0 : i32
      %scan3A_103 = arith.constant 0 : i32
      %scan3A_104 = arith.constant 40 : i32
      %scan3A_105 = arith.addi %scan3A_103, %scan3A_104 : i32
      %scan3A_106 = arith.constant 1 : i32
      %scan3A_107 = scf.for %scan3A_147 = %scan3A_103 to %scan3A_105 step %scan3A_106 iter_args(%scan3A_148 = %scan3A_102) -> (i32)  : i32 {
        %mul3A_149 = arith.constant 16 : i32
        %mul3A_150 = arith.muli %scan3A_147, %mul3A_149 : i32
        %get3A = arith.index_cast %mul3A_150 : i32 to index
        %get3A_151 = tpu.vector_load %arg19[%get3A] {strides = array<i32>} : memref<640xf32, #tpu.memory_space<vmem>>, vector<16xf32>,
        %get3A_152 = vector.shape_cast %get3A_151 : vector<16xf32> to vector<16xf32>
        %get3A_153 = arith.index_cast %mul3A_150 : i32 to index
        %get3A_154 = tpu.vector_load %arg17[%get3A_153] {strides = array<i32>} : memref<640xf32, #tpu.memory_space<vmem>>, vector<16xf32>,
        %get3A_155 = vector.shape_cast %get3A_154 : vector<16xf32> to vector<16xf32>
        %mul3A_156 = arith.mulf %get3A_152, %get3A_155 : vector<16xf32>
        %get3A_157 = arith.index_cast %mul3A_150 : i32 to index
        %get3A_158 = tpu.vector_load %arg21[%get3A_157] {strides = array<i32>} : memref<640xf32, #tpu.memory_space<vmem>>, vector<16xf32>,
        %get3A_159 = vector.shape_cast %get3A_158 : vector<16xf32> to vector<16xf32>
        %mul3A_160 = arith.mulf %mul3A_156, %get3A_159 : vector<16xf32>
        %swap3A = arith.index_cast %mul3A_150 : i32 to index
        %swap3A_161 = tpu.vector_load %arg23[%swap3A] {strides = array<i32>} : memref<640xf32, #tpu.memory_space<vmem>>, vector<16xf32>,
        %swap3A_162 = vector.shape_cast %swap3A_161 : vector<16xf32> to vector<16xf32>
        %swap3A_163 = vector.shape_cast %mul3A_160 : vector<16xf32> to vector<16xf32>
        tpu.vector_store %arg23[%swap3A], %swap3A_163 {strides = array<i32>} : memref<640xf32, #tpu.memory_space<vmem>>, vector<16xf32>,
        %scan3A_164 = arith.constant 0 : i32
        scf.yield %scan3A_164 : i32
      }
      %scan3A_108 = arith.constant 40 : i32
      %mul3A_109 = arith.constant 640 : i32
      %mul3A_110 = arith.muli %mul3A_82, %mul3A_109 : i32
      %add3A_111 = arith.addi %mul3A_44, %mul3A_110 : i32
      "tpu.region"() ({
        %run_scoped3A = tpu.sem_alloc : memref<!tpu.dma_semaphore, #tpu.memory_space<semaphore_mem>>
        %dma_start3A_147 = tpu.memref_slice %arg5[%add3A_111] : memref<983040xf32, #tpu.memory_space<hbm>> -> memref<640xf32, #tpu.memory_space<hbm>>
        %dma_start3A_148 = tpu.memref_slice %arg5[%add3A_111] : memref<983040xf32, #tpu.memory_space<hbm>> -> memref<640xf32, #tpu.memory_space<hbm>>
        tpu.enqueue_dma source(%arg23 : memref<640xf32, #tpu.memory_space<vmem>>) target(%dma_start3A_148 : memref<640xf32, #tpu.memory_space<hbm>>) target_semaphore(%run_scoped3A : memref<!tpu.dma_semaphore, #tpu.memory_space<semaphore_mem>>)
        %dma_wait3A_149 = tpu.memref_slice %arg5[%add3A_111] : memref<983040xf32, #tpu.memory_space<hbm>> -> memref<640xf32, #tpu.memory_space<hbm>>
        %dma_wait3A_150 = tpu.memref_slice %arg5[%add3A_111] : memref<983040xf32, #tpu.memory_space<hbm>> -> memref<640xf32, #tpu.memory_space<hbm>>
        tpu.wait_dma2 semaphore(%run_scoped3A : memref<!tpu.dma_semaphore, #tpu.memory_space<semaphore_mem>>) src(%arg23 : memref<640xf32, #tpu.memory_space<vmem>>) dst(%dma_wait3A_150 : memref<640xf32, #tpu.memory_space<hbm>>)
        tpu.yield
      }) : () -> ()
      %add3A_112 = arith.constant 2 : i32
      %add3A_113 = arith.addi %mul3A_82, %add3A_112 : i32
      %lt3A = arith.constant 48 : i32
      %lt3A_114 = arith.cmpi slt, %add3A_113, %lt3A : i32
      %convert_element_type3A = arith.extui %lt3A_114 : i1 to i32
      %cond3A = arith.constant 0 : i32
      %cond3A_115 = arith.cmpi ne, %convert_element_type3A, %cond3A : i32
      scf.if %cond3A_115 {
        %add3A_147 = arith.constant 2 : i32
        %add3A_148 = arith.addi %mul3A_82, %add3A_147 : i32
        %mul3A_149 = arith.constant 640 : i32
        %mul3A_150 = arith.muli %add3A_148, %mul3A_149 : i32
        %add3A_151 = arith.addi %mul3A_44, %mul3A_150 : i32
        %dma_start3A_152 = tpu.memref_slice %arg2[%add3A_151] : memref<983040xi32, #tpu.memory_space<hbm>> -> memref<640xi32, #tpu.memory_space<hbm>>
        %dma_start3A_153 = tpu.memref_slice %arg2[%add3A_151] : memref<983040xi32, #tpu.memory_space<hbm>> -> memref<640xi32, #tpu.memory_space<hbm>>
        tpu.enqueue_dma source(%dma_start3A_153 : memref<640xi32, #tpu.memory_space<hbm>>) target(%arg13 : memref<640xi32, #tpu.memory_space<vmem>>) target_semaphore(%arg27 : memref<!tpu.dma_semaphore, #tpu.memory_space<semaphore_mem>>)
        %dma_start3A_154 = tpu.memref_slice %arg3[%add3A_151] : memref<983040xi32, #tpu.memory_space<hbm>> -> memref<640xi32, #tpu.memory_space<hbm>>
        %dma_start3A_155 = tpu.memref_slice %arg3[%add3A_151] : memref<983040xi32, #tpu.memory_space<hbm>> -> memref<640xi32, #tpu.memory_space<hbm>>
        tpu.enqueue_dma source(%dma_start3A_155 : memref<640xi32, #tpu.memory_space<hbm>>) target(%arg15 : memref<640xi32, #tpu.memory_space<vmem>>) target_semaphore(%arg27 : memref<!tpu.dma_semaphore, #tpu.memory_space<semaphore_mem>>)
        %dma_start3A_156 = tpu.memref_slice %arg4[%add3A_151] : memref<983040xf32, #tpu.memory_space<hbm>> -> memref<640xf32, #tpu.memory_space<hbm>>
        %dma_start3A_157 = tpu.memref_slice %arg4[%add3A_151] : memref<983040xf32, #tpu.memory_space<hbm>> -> memref<640xf32, #tpu.memory_space<hbm>>
        tpu.enqueue_dma source(%dma_start3A_157 : memref<640xf32, #tpu.memory_space<hbm>>) target(%arg17 : memref<640xf32, #tpu.memory_space<vmem>>) target_semaphore(%arg27 : memref<!tpu.dma_semaphore, #tpu.memory_space<semaphore_mem>>)
      } else {
      }
      %dma_wait3A_116 = arith.constant 0 : i32
      %dma_wait3A_117 = tpu.memref_slice %arg6[%dma_wait3A_116] : memref<30720xf32, #tpu.memory_space<hbm>> -> memref<30720xf32, #tpu.memory_space<hbm>>
      tpu.wait_indirect_dma semaphore(%arg30 : memref<!tpu.dma_semaphore, #tpu.memory_space<semaphore_mem>>) src(%dma_wait3A_117 : memref<30720xf32, #tpu.memory_space<hbm>>) dst(%arg20 : memref<640xf32, #tpu.memory_space<vmem>>)
      %dma_wait3A_118 = arith.constant 0 : i32
      %dma_wait3A_119 = tpu.memref_slice %arg6[%dma_wait3A_118] : memref<30720xf32, #tpu.memory_space<hbm>> -> memref<30720xf32, #tpu.memory_space<hbm>>
      tpu.wait_indirect_dma semaphore(%arg30 : memref<!tpu.dma_semaphore, #tpu.memory_space<semaphore_mem>>) src(%dma_wait3A_119 : memref<30720xf32, #tpu.memory_space<hbm>>) dst(%arg22 : memref<640xf32, #tpu.memory_space<vmem>>)
      %add3A_120 = arith.constant 2 : i32
      %add3A_121 = arith.addi %mul3A_82, %add3A_120 : i32
      %lt3A_122 = arith.constant 48 : i32
      %lt3A_123 = arith.cmpi slt, %add3A_121, %lt3A_122 : i32
      %convert_element_type3A_124 = arith.extui %lt3A_123 : i1 to i32
      %cond3A_125 = arith.constant 0 : i32
      %cond3A_126 = arith.cmpi ne, %convert_element_type3A_124, %cond3A_125 : i32
      scf.if %cond3A_126 {
        %add3A_147 = arith.constant 2 : i32
        %add3A_148 = arith.addi %mul3A_82, %add3A_147 : i32
        %mul3A_149 = arith.constant 640 : i32
        %mul3A_150 = arith.muli %add3A_148, %mul3A_149 : i32
        %add3A_151 = arith.addi %mul3A_44, %mul3A_150 : i32
        %dma_wait3A_152 = tpu.memref_slice %arg2[%add3A_151] : memref<983040xi32, #tpu.memory_space<hbm>> -> memref<640xi32, #tpu.memory_space<hbm>>
        %dma_wait3A_153 = tpu.memref_slice %arg2[%add3A_151] : memref<983040xi32, #tpu.memory_space<hbm>> -> memref<640xi32, #tpu.memory_space<hbm>>
        tpu.wait_dma2 semaphore(%arg27 : memref<!tpu.dma_semaphore, #tpu.memory_space<semaphore_mem>>) src(%dma_wait3A_153 : memref<640xi32, #tpu.memory_space<hbm>>) dst(%arg13 : memref<640xi32, #tpu.memory_space<vmem>>)
        %dma_wait3A_154 = tpu.memref_slice %arg3[%add3A_151] : memref<983040xi32, #tpu.memory_space<hbm>> -> memref<640xi32, #tpu.memory_space<hbm>>
        %dma_wait3A_155 = tpu.memref_slice %arg3[%add3A_151] : memref<983040xi32, #tpu.memory_space<hbm>> -> memref<640xi32, #tpu.memory_space<hbm>>
        tpu.wait_dma2 semaphore(%arg27 : memref<!tpu.dma_semaphore, #tpu.memory_space<semaphore_mem>>) src(%dma_wait3A_155 : memref<640xi32, #tpu.memory_space<hbm>>) dst(%arg15 : memref<640xi32, #tpu.memory_space<vmem>>)
        %dma_wait3A_156 = tpu.memref_slice %arg4[%add3A_151] : memref<983040xf32, #tpu.memory_space<hbm>> -> memref<640xf32, #tpu.memory_space<hbm>>
        %dma_wait3A_157 = tpu.memref_slice %arg4[%add3A_151] : memref<983040xf32, #tpu.memory_space<hbm>> -> memref<640xf32, #tpu.memory_space<hbm>>
        tpu.wait_dma2 semaphore(%arg27 : memref<!tpu.dma_semaphore, #tpu.memory_space<semaphore_mem>>) src(%dma_wait3A_157 : memref<640xf32, #tpu.memory_space<hbm>>) dst(%arg17 : memref<640xf32, #tpu.memory_space<vmem>>)
        %dma_start3A_158 = arith.constant 0 : i32
        %dma_start3A_159 = tpu.memref_slice %arg6[%dma_start3A_158] : memref<30720xf32, #tpu.memory_space<hbm>> -> memref<30720xf32, #tpu.memory_space<hbm>>
        tpu.enqueue_indirect_dma source(%dma_start3A_159 : memref<30720xf32, #tpu.memory_space<hbm>>) target(%arg19 : memref<640xf32, #tpu.memory_space<vmem>>) offsets(%arg13 : memref<640xi32, #tpu.memory_space<vmem>>) semaphore(%arg29 : memref<!tpu.dma_semaphore, #tpu.memory_space<semaphore_mem>>)
        %dma_start3A_160 = arith.constant 0 : i32
        %dma_start3A_161 = tpu.memref_slice %arg6[%dma_start3A_160] : memref<30720xf32, #tpu.memory_space<hbm>> -> memref<30720xf32, #tpu.memory_space<hbm>>
        tpu.enqueue_indirect_dma source(%dma_start3A_161 : memref<30720xf32, #tpu.memory_space<hbm>>) target(%arg21 : memref<640xf32, #tpu.memory_space<vmem>>) offsets(%arg15 : memref<640xi32, #tpu.memory_space<vmem>>) semaphore(%arg29 : memref<!tpu.dma_semaphore, #tpu.memory_space<semaphore_mem>>)
      } else {
      }
      %add3A_127 = arith.constant 1 : i32
      %add3A_128 = arith.addi %mul3A_82, %add3A_127 : i32
      %scan3A_129 = arith.constant 0 : i32
      %scan3A_130 = arith.constant 0 : i32
      %scan3A_131 = arith.constant 40 : i32
      %scan3A_132 = arith.addi %scan3A_130, %scan3A_131 : i32
      %scan3A_133 = arith.constant 1 : i32
      %scan3A_134 = scf.for %scan3A_147 = %scan3A_130 to %scan3A_132 step %scan3A_133 iter_args(%scan3A_148 = %scan3A_129) -> (i32)  : i32 {
        %mul3A_149 = arith.constant 16 : i32
        %mul3A_150 = arith.muli %scan3A_147, %mul3A_149 : i32
        %get3A = arith.index_cast %mul3A_150 : i32 to index
        %get3A_151 = tpu.vector_load %arg20[%get3A] {strides = array<i32>} : memref<640xf32, #tpu.memory_space<vmem>>, vector<16xf32>,
        %get3A_152 = vector.shape_cast %get3A_151 : vector<16xf32> to vector<16xf32>
        %get3A_153 = arith.index_cast %mul3A_150 : i32 to index
        %get3A_154 = tpu.vector_load %arg18[%get3A_153] {strides = array<i32>} : memref<640xf32, #tpu.memory_space<vmem>>, vector<16xf32>,
        %get3A_155 = vector.shape_cast %get3A_154 : vector<16xf32> to vector<16xf32>
        %mul3A_156 = arith.mulf %get3A_152, %get3A_155 : vector<16xf32>
        %get3A_157 = arith.index_cast %mul3A_150 : i32 to index
        %get3A_158 = tpu.vector_load %arg22[%get3A_157] {strides = array<i32>} : memref<640xf32, #tpu.memory_space<vmem>>, vector<16xf32>,
        %get3A_159 = vector.shape_cast %get3A_158 : vector<16xf32> to vector<16xf32>
        %mul3A_160 = arith.mulf %mul3A_156, %get3A_159 : vector<16xf32>
        %swap3A = arith.index_cast %mul3A_150 : i32 to index
        %swap3A_161 = tpu.vector_load %arg24[%swap3A] {strides = array<i32>} : memref<640xf32, #tpu.memory_space<vmem>>, vector<16xf32>,
        %swap3A_162 = vector.shape_cast %swap3A_161 : vector<16xf32> to vector<16xf32>
        %swap3A_163 = vector.shape_cast %mul3A_160 : vector<16xf32> to vector<16xf32>
        tpu.vector_store %arg24[%swap3A], %swap3A_163 {strides = array<i32>} : memref<640xf32, #tpu.memory_space<vmem>>, vector<16xf32>,
        %scan3A_164 = arith.constant 0 : i32
        scf.yield %scan3A_164 : i32
      }
      %scan3A_135 = arith.constant 40 : i32
      %mul3A_136 = arith.constant 640 : i32
      %mul3A_137 = arith.muli %add3A_128, %mul3A_136 : i32
      %add3A_138 = arith.addi %mul3A_44, %mul3A_137 : i32
      "tpu.region"() ({
        %run_scoped3A = tpu.sem_alloc : memref<!tpu.dma_semaphore, #tpu.memory_space<semaphore_mem>>
        %dma_start3A_147 = tpu.memref_slice %arg5[%add3A_138] : memref<983040xf32, #tpu.memory_space<hbm>> -> memref<640xf32, #tpu.memory_space<hbm>>
        %dma_start3A_148 = tpu.memref_slice %arg5[%add3A_138] : memref<983040xf32, #tpu.memory_space<hbm>> -> memref<640xf32, #tpu.memory_space<hbm>>
        tpu.enqueue_dma source(%arg24 : memref<640xf32, #tpu.memory_space<vmem>>) target(%dma_start3A_148 : memref<640xf32, #tpu.memory_space<hbm>>) target_semaphore(%run_scoped3A : memref<!tpu.dma_semaphore, #tpu.memory_space<semaphore_mem>>)
        %dma_wait3A_149 = tpu.memref_slice %arg5[%add3A_138] : memref<983040xf32, #tpu.memory_space<hbm>> -> memref<640xf32, #tpu.memory_space<hbm>>
        %dma_wait3A_150 = tpu.memref_slice %arg5[%add3A_138] : memref<983040xf32, #tpu.memory_space<hbm>> -> memref<640xf32, #tpu.memory_space<hbm>>
        tpu.wait_dma2 semaphore(%run_scoped3A : memref<!tpu.dma_semaphore, #tpu.memory_space<semaphore_mem>>) src(%arg24 : memref<640xf32, #tpu.memory_space<vmem>>) dst(%dma_wait3A_150 : memref<640xf32, #tpu.memory_space<hbm>>)
        tpu.yield
      }) : () -> ()
      %add3A_139 = arith.constant 3 : i32
      %add3A_140 = arith.addi %mul3A_82, %add3A_139 : i32
      %lt3A_141 = arith.constant 48 : i32
      %lt3A_142 = arith.cmpi slt, %add3A_140, %lt3A_141 : i32
      %convert_element_type3A_143 = arith.extui %lt3A_142 : i1 to i32
      %cond3A_144 = arith.constant 0 : i32
      %cond3A_145 = arith.cmpi ne, %convert_element_type3A_143, %cond3A_144 : i32
      scf.if %cond3A_145 {
        %add3A_147 = arith.constant 3 : i32
        %add3A_148 = arith.addi %mul3A_82, %add3A_147 : i32
        %mul3A_149 = arith.constant 640 : i32
        %mul3A_150 = arith.muli %add3A_148, %mul3A_149 : i32
        %add3A_151 = arith.addi %mul3A_44, %mul3A_150 : i32
        %dma_start3A_152 = tpu.memref_slice %arg2[%add3A_151] : memref<983040xi32, #tpu.memory_space<hbm>> -> memref<640xi32, #tpu.memory_space<hbm>>
        %dma_start3A_153 = tpu.memref_slice %arg2[%add3A_151] : memref<983040xi32, #tpu.memory_space<hbm>> -> memref<640xi32, #tpu.memory_space<hbm>>
        tpu.enqueue_dma source(%dma_start3A_153 : memref<640xi32, #tpu.memory_space<hbm>>) target(%arg14 : memref<640xi32, #tpu.memory_space<vmem>>) target_semaphore(%arg28 : memref<!tpu.dma_semaphore, #tpu.memory_space<semaphore_mem>>)
        %dma_start3A_154 = tpu.memref_slice %arg3[%add3A_151] : memref<983040xi32, #tpu.memory_space<hbm>> -> memref<640xi32, #tpu.memory_space<hbm>>
        %dma_start3A_155 = tpu.memref_slice %arg3[%add3A_151] : memref<983040xi32, #tpu.memory_space<hbm>> -> memref<640xi32, #tpu.memory_space<hbm>>
        tpu.enqueue_dma source(%dma_start3A_155 : memref<640xi32, #tpu.memory_space<hbm>>) target(%arg16 : memref<640xi32, #tpu.memory_space<vmem>>) target_semaphore(%arg28 : memref<!tpu.dma_semaphore, #tpu.memory_space<semaphore_mem>>)
        %dma_start3A_156 = tpu.memref_slice %arg4[%add3A_151] : memref<983040xf32, #tpu.memory_space<hbm>> -> memref<640xf32, #tpu.memory_space<hbm>>
        %dma_start3A_157 = tpu.memref_slice %arg4[%add3A_151] : memref<983040xf32, #tpu.memory_space<hbm>> -> memref<640xf32, #tpu.memory_space<hbm>>
        tpu.enqueue_dma source(%dma_start3A_157 : memref<640xf32, #tpu.memory_space<hbm>>) target(%arg18 : memref<640xf32, #tpu.memory_space<vmem>>) target_semaphore(%arg28 : memref<!tpu.dma_semaphore, #tpu.memory_space<semaphore_mem>>)
      } else {
      }
      %scan3A_146 = arith.constant 0 : i32
      scf.yield %scan3A_146 : i32
    }
    %scan3A_78 = arith.constant 24 : i32
    return
  }
}

</mosaic_0001>

<sc_bundles>
// kernel: _norm_pass.3.cloned.1.call-start
scs
__scs_entry_jumppad:
0x0: {  	(pc) =	sbr.rel $0x88, $3  }
0x1: {  	(tag) =	ssettag $0x0;
	lr =	simm.s32 $0x1  }
0x2: {  	[smem:$0x3F9E] =	sst lr;
	_ =	strace $0xD0000000  }
0x3: {  	_ = 	snop  }
0x4: {  	_ = 	snop  }
0x5: {  	_ = 	snop  }
0x6: {  	_ = 	snop  }
0x7: {  	_ = 	snop  }
__scs_overlays_trampoline_lowered:
0x8: {  	[smem:$0x3FAD] =	sst s0  }
0x9: {  	[smem:$0x3FAE] =	sst s1  }
0xa: {  	[smem:$0x3FAF] =	sst s2  }
0xb: {  	[smem:$0x3FB0] =	sst s3  }
0xc: {  	[smem:$0x3FB1] =	sst s4  }
0xd: {  	[smem:$0x3FB2] =	sst s5  }
0xe: {  	[smem:$0x3FB3] =	sst s6  }
0xf: {  	[smem:$0x3FB4] =	sst s7  }
0x10: {  	[smem:$0x3FB5] =	sst s8  }
0x11: {  	[smem:$0x3FB6] =	sst s9;
	s0 =	simm.s32 @!p0 $0x0  }
0x12: {  	s1 =	sld [smem:$0x3F9C];
	s0 =	simm.s32 @p0 $0x1  }
0x13: {  	[smem:$0x3FB7] =	sst s0;
	s0 =	simm.s32 @!p1 $0x0  }
0x14: {  	s2 =	sld [smem:$0x3F9B];
	s0 =	simm.s32 @p1 $0x1  }
0x15: {  	[smem:$0x3FB8] =	sst s0;
	s0 =	simm.s32 @!p2 $0x0  }
0x16: {  	s3 =	sld [smem:$0x3FDB];
	s0 =	simm.s32 @p2 $0x1  }
0x17: {  	s4 =	simm.s32 $0x1BF5;
	[smem:$0x3FBA] =	sst s0  }
0x18: {  	s0 =	sld [smem:$0x3F9D];
	_ =	swait.ge [sflag:s4], $0x0  }
0x19: {  	s7 =	sld [smem:$0x3F9E]  }
0x1a: {  	s8 =	sadd.s32 $0xFFFFE003, lr  }
0x1b: {  	s9 =	sadd.s32 $0xFFFFFEF7, lr;
	s5 =	simm.s32 $0xFFFFFFFF;
	p2 =	slt.u32 s8, $0xFFFFF086  }
0x1c: {  	p1 =	slt.u32 s9, $0xF7A;
	s5 =	simm.s32 @!p2 $0x0  }
0x1d: {  	s5 =	simm.s32 @p1 $0x1;
	p0 =	seq.s32 s7, s2  }
0x1e: {  	s7 =	smul.u32 @!p0 $0xF7A, s2;
	p2 =	seq.s32 @!p0 s5, $0x0  }
0x1f: {  	s9 =	smul.u32 $0xF7A, s1;
	s8 =	simm.s32 @!p0 $0x1BF5;
	p2 =	por !p2, p0  }
0x20: {  	[sflag:s8] =	ssyncset.s32 @!p0 $0xFFFFF086;
	s6 =	sadd.s32 @!p0 s3, s7;
	s7 =	simm.s32 @!p0 $0x108  }
0x21: {  	s3 =	sadd.s32 s3, s9;
	s6 =	sadd.s32 @!p0 $0x88, s6;
	s7 =	simm.s32 @p2 $0x1082  }
0x22: {  	[simem:s7], [sflag:s8] =	dma.local @!p0 [hbm:s6], $0xF7A  }
0x23: {  	s9 =	sor.u32 $0xD0000000, s2;
	s6 =	simm.s32 $0x108;
	_ =	swait.ge @!p0 [sflag:s8], $0x0  }
0x24: {  	s3 =	sadd.s32 $0x88, s3;
	s6 =	simm.s32 @!p1 $0x1082;
	[sflag:s4] =	ssyncset.s32 $0xFFFFF086  }
0x25: {  	[simem:s6], [sflag:s4] =	dma.local [hbm:s3], $0xF7A  }
0x26: {  	[smem:$0x3F9E] =	sst s1;
	(tag) =	ssettag s2;
	_ =	strace s9  }
0x27: {  	s1 =	sld [smem:$0x3FAE]  }
0x28: {  	s2 =	sld [smem:$0x3FAF]  }
0x29: {  	s4 =	sld [smem:$0x3FB1]  }
0x2a: {  	p0 =	seq.s32 s5, $0x0;
	s5 =	sld [smem:$0x3FB2]  }
0x2b: {  	s6 =	sld [smem:$0x3FB3]  }
0x2c: {  	s7 =	sld [smem:$0x3FB4]  }
0x2d: {  	s3 =	simm.s32 $0x108;
	s8 =	sld [smem:$0x3FB5]  }
0x2e: {  	s3 =	simm.s32 @!p0 $0x1082;
	s9 =	sld [smem:$0x3FB6]  }
0x2f: {  	lr =	sadd.s32 s0, s3;
	s0 =	sld [smem:$0x3FAD]  }
0x30: {  	s3 =	sld [smem:$0x3FB0]  }
0x31: {  	[smem:$0x3FB9] =	sst s10  }
0x32: {  	s10 =	sld [smem:$0x3FB7];
	_ =	sdelay $0x3  }
0x33: {  	p0 =	seq.s32 s10, $0x1;
	s10 =	sld [smem:$0x3FB9];
	_ =	sdelay $0x3  }
0x34: {  	[smem:$0x3FB9] =	sst s10  }
0x35: {  	s10 =	sld [smem:$0x3FB8];
	_ =	sdelay $0x3  }
0x36: {  	p1 =	seq.s32 s10, $0x1;
	s10 =	sld [smem:$0x3FB9];
	_ =	sdelay $0x3  }
0x37: {  	[smem:$0x3FB9] =	sst s10  }
0x38: {  	s10 =	sld [smem:$0x3FBA]  }
0x39: {  	_ = 	snop;
	(pc) =	sbr.ind lr, $3  }
0x3a: {  	_ = 	snop  }
0x3b: {  	_ = 	snop  }
0x3c: {  	p2 =	seq.s32 s10, $0x1;
	s10 =	sld [smem:$0x3FB9]  }
0x3d: {  	_ =	shalt  }
0x3e: {  	_ =	shalt  }
0x3f: {  	_ =	shalt  }
0x40: {  	_ =	shalt  }
0x41: {  	_ =	shalt  }
0x42: {  	_ =	shalt  }
0x43: {  	_ =	shalt  }
0x44: {  	_ =	shalt  }
0x45: {  	_ =	shalt  }
0x46: {  	_ =	shalt  }
0x47: {  	_ =	shalt  }
0x48: {  	_ =	shalt  }
0x49: {  	_ =	shalt  }
0x4a: {  	_ =	shalt  }
0x4b: {  	_ =	shalt  }
0x4c: {  	_ =	shalt  }
0x4d: {  	_ =	shalt  }
0x4e: {  	_ =	shalt  }
0x4f: {  	_ =	shalt  }
0x50: {  	_ =	shalt  }
0x51: {  	_ =	shalt  }
0x52: {  	_ =	shalt  }
0x53: {  	_ =	shalt  }
0x54: {  	_ =	shalt  }
0x55: {  	_ =	shalt  }
0x56: {  	_ =	shalt  }
0x57: {  	_ =	shalt  }
0x58: {  	_ =	shalt  }
0x59: {  	_ =	shalt  }
0x5a: {  	_ =	shalt  }
0x5b: {  	_ =	shalt  }
0x5c: {  	_ =	shalt  }
0x5d: {  	_ =	shalt  }
0x5e: {  	_ =	shalt  }
0x5f: {  	_ =	shalt  }
0x60: {  	_ =	shalt  }
0x61: {  	_ =	shalt  }
0x62: {  	_ =	shalt  }
0x63: {  	_ =	shalt  }
0x64: {  	_ =	shalt  }
0x65: {  	_ =	shalt  }
0x66: {  	_ =	shalt  }
0x67: {  	_ =	shalt  }
0x68: {  	_ =	shalt  }
0x69: {  	_ =	shalt  }
0x6a: {  	_ =	shalt  }
0x6b: {  	_ =	shalt  }
0x6c: {  	_ =	shalt  }
0x6d: {  	_ =	shalt  }
0x6e: {  	_ =	shalt  }
0x6f: {  	_ =	shalt  }
0x70: {  	_ =	shalt  }
0x71: {  	_ =	shalt  }
0x72: {  	_ =	shalt  }
0x73: {  	_ =	shalt  }
0x74: {  	_ =	shalt  }
0x75: {  	_ =	shalt  }
0x76: {  	_ =	shalt  }
0x77: {  	_ =	shalt  }
0x78: {  	_ =	shalt  }
0x79: {  	_ =	shalt  }
0x7a: {  	_ =	shalt  }
0x7b: {  	_ =	shalt  }
0x7c: {  	_ =	shalt  }
0x7d: {  	_ =	shalt  }
0x7e: {  	_ =	shalt  }
0x7f: {  	_ =	shalt  }
0x80: {  	_ =	shalt  }
0x81: {  	_ =	shalt  }
0x82: {  	_ =	shalt  }
0x83: {  	_ =	shalt  }
0x84: {  	_ =	shalt  }
0x85: {  	_ =	shalt  }
0x86: {  	_ =	shalt  }
0x87: {  	_ =	shalt  }
.Lfunc_end0:
.L_simem_size_0:
called_computation_lowered:
.L_overlay_start_0:
0x88: {  	s2 =	sld [smem:$0x3FD9]  }
0x89: {  	s3 =	sld [smem:$0x3FFE];
	_ =	sdelay $0x1  }
0x8a: {  	s1 =	srdreg.scid  }
0x8b: {  	s0 =	sand.u32 $0x1, s1  }
0x8c: {  	s15 =	sshll.u32 s0, $0xA;
	s2 =	sadd.s32 s3, s2  }
0x8d: {  	s2 =	sadd.s32 s2, s15  }
0x8e: {  	[smem:$0x3FC5] =	sst s2  }
0x8f: {  	_ = 	snop  }
0x90: {  	s2 =	sld [smem:$0x3FD0]  }
0x91: {  	s16 =	sld [smem:$0x3FC9]  }
0x92: {  	s4 =	sld [smem:$0x3FC8]  }
0x93: {  	s6 =	simm.s32 $0xA;
	s7 =	simm.s32 $0x10;
	s5 =	sld [smem:$0x3FC7]  }
0x94: {  	[smem:s7], [sflag:s6] =	dma.local [hbm:s2], $0x1  }
0x95: {  	_ =	swait.eq [sflag:s6], $0x1  }
0x96: {  	[sflag:s6] =	ssyncset.done $0x0  }
0x97: {  	s17 =	sld [smem:$0x10];
	[sflag:s6] =	ssyncadd.s32 $0xFFFFFFFF  }
0x98: {  	s18 =	sld [smem:$0x11];
	(tm) =	ssettm $0x1  }
0x99: {  	s19 =	sld [smem:$0x3FFB];
	_ =	sdelay $0x3  }
0x9a: {  	_ =	strace s19  }
0x9b: {  	s7 =	sld [smem:$0x3FFC];
	_ =	sdelay $0x3  }
0x9c: {  	_ =	strace s7  }
0x9d: {  	s7 =	sld [smem:$0x3FFD];
	_ =	sdelay $0x3  }
0x9e: {  	_ =	strace s7  }
0x9f: {  	_ =	strace $0x8FFFFFFF  }
0xa0: {  	s20 =	sld [smem:$0x3FDB];
	_ =	sdelay $0x1  }
0xa1: {  	s8 =	simm.s32 $_scs_section_size  }
0xa2: {  	s9 =	simm.s32 $_size__tile_overlayer_lowered;
	s10 =	simm.s32 $_tile_overlayer_lowered  }
0xa3: {  	s23 =	simm.s32 $0x1BFF;
	s22 =	sshll.u32 s10, $0x1;
	s7 =	sadd.s32 s8, s20  }
0xa4: {  	s11 =	simm.s32 $0x0;
	s21 =	sshll.u32 s9, $0x1;
	s9 =	sadd.s32 s22, s7  }
0xa5: {  	[timem:s11], [sflag:s23] =	dma.local [hbm:s9], s21  }
0xa6: {  	_ =	swait.ge [sflag:s23], s21  }
0xa7: {  	s8 =	ssub.s32 $0x0, s21;
	[sflag:s23] =	ssyncset.done $0x0  }
0xa8: {  	[sflag:s23] =	ssyncadd.s32 s8;
	_ =	sdelay $0x1  }
0xa9: {  	s24 =	simm.s32 $0x1B8B  }
0xaa: {  	_ =	swait.ge [sflag:s24], $0x1  }
0xab: {  	[sflag:s24] =	ssyncset.done $0x0  }
0xac: {  	s25 =	simm.s32 $0x1B8E;
	[sflag:s24] =	ssyncadd.s32 $0xFFFFFFFF  }
0xad: {  	s26 =	simm.s32 $execute0_lowered;
	[smem:$0x3FD2] =	sst s25  }
0xae: {  	s8 =	sshll.u32 s26, $0x1;
	_ =	strace $0x80000046;
	[dreg:$0x1] =	wrdreg $0xFFFFFFFF  }
0xaf: {  	s28 =	simm.s32 $_size_execute0_lowered;
	s7 =	sadd.s32 s7, s8;
	[dreg:$0x0] =	wrdreg $0x0  }
0xb0: {  	s8 =	sshll.u32 s28, $0x1;
	[dreg:$0x2] =	wrdreg s7  }
0xb1: {  	[dreg:$0x3] =	wrdreg s8  }
0xb2: {  	[dreg:$0x4] =	wrdreg $0xC0  }
0xb3: {  	_ =	task [dreg:s11], $0x5FFFF  }
0xb4: {  	[dreg:$0x1] =	wrdreg $0xFFFFFFFF  }
0xb5: {  	[dreg:$0x0] =	wrdreg $0x60  }
0xb6: {  	[dreg:$0x2] =	wrdreg s16  }
0xb7: {  	[dreg:$0x3] =	wrdreg s4  }
0xb8: {  	[dreg:$0x4] =	wrdreg s5  }
0xb9: {  	[dreg:$0x5] =	wrdreg s17  }
0xba: {  	[dreg:$0x6] =	wrdreg s18  }
0xbb: {  	[dreg:$0x7] =	wrdreg $0x0  }
0xbc: {  	[dreg:$0x8] =	wrdreg $0x9  }
0xbd: {  	_ =	task.clear_ibuf [dreg:s11], $0x9FFFF;
	_ =	strace $0x90000046  }
0xbe: {  	s29 =	simm.s32 $0x9;
	_ =	strace $0x80000048  }
0xbf: {  	_ =	swait.ge [sflag:s29], $0x1  }
0xc0: {  	[sflag:s29] =	ssyncadd.s32 $0xFFFFFFFF  }
0xc1: {  	_ =	strace $0x90000048  }
0xc2: {  	_ =	sfence  }
0xc3: {  	s30 =	sld [smem:$0x0];
	_ =	sdelay $0x2  }
0xc4: {  	s31 =	sshll.u32 s1, $0xD;
	s1 =	sshrl.u32 s1, $0x2  }
0xc5: {  	s3 =	sand.u32 $0x4000, s31;
	s1 =	sadd.s32 s1, s30  }
0xc6: {  	s0 =	sor.u32 s3, s0;
	s1 =	sshll.u32 s1, $0x11  }
0xc7: {  	s0 =	sor.u32 s1, s0  }
0xc8: {  	s0 =	sadd.s32 $0x8F2B, s0  }
0xc9: {  	[sflag:s0] =	ssyncadd.remote.s32 $0x1  }
0xca: {  	_ =	sfence.sel $0xFFFF  }
0xcb: {  	[dreg:$0x0] =	wrdreg $0xFFFFFFFF;
	(pc) =	sbr.abs _section_cstart, $3  }
0xcc: {  	[dreg:$0x1] =	wrdreg $0xFFFFFFFF  }
0xcd: {  	_ =	task.clear_ibuf [dreg:s11], $0x2FFFF;
	_ =	strace $0x9FFFFFFF  }
0xce: {  	(tm) =	ssettm $0x7FFFFFFF  }
0xcf: {  	_ =	shalt  }
tec
execute0_lowered:
.L_overlay_start_1:
0x0: {  	(tag) =	ssettag $0x1  }
0x1: {  	s1 =	rddreg [dreg:$0x0]  }
0x2: {  	s2 =	rddreg [dreg:$0x1]  }
0x3: {  	s4 =	rddreg [dreg:$0x2]  }
0x4: {  	s5 =	rddreg [dreg:$0x4]  }
0x5: {  	s7 =	rddreg [dreg:$0x5]  }
0x6: {  	s0 =	srdreg.scid;
	s12 =	stileid.u32  }
0x7: {  	s8 =	simm.s32 $0x0;
	s30 =	simm.s32 $0x7;
	s9 =	smul.u32 $0x780, s12  }
0x8: {  	s31 =	simm.s32 $0xF00;
	s0 =	sand.u32 $0x1, s0;
	s11 =	smul.u32 $0xF000, s12  }
0x9: {  	[smem:$0x7FF] =	sst s8;
	s20 =	smul.u32 $0x1E00, s12;
	s28 =	smov.u32 s4  }
0xa: {  	s6 =	ssub.s32 $0x2, s0;
	s0 =	sshll.u32 s0, $0x4;
	_ =	strace $0x80000047  }
0xb: {  	s10 =	sshrl.u32 s6, $0x1;
	s0 =	sor.u32 s12, s0;
	s29 =	sadd.s32 s9, s7  }
0xc: {  	s11 =	sshrl.u32 s11, $0x3;
	s9 =	sshrl.u32 s9, $0x3;
	s24 =	sadd.s32 s20, s4  }
0xd: {  	s25 =	sadd.s32 s20, s2;
	s12 =	simm.s32 $0x1;
	s20 =	simm.s32 $0x2A80  }
0xe: {  	s6 =	ssub.s32 s6, s10;
	s10 =	smul.u32 $0x7800, s0;
	s26 =	sadd.s32 s2, s11  }
0xf: {  	s3 =	sadd.s32 s4, s11;
	s11 =	sor.u32 $0xA0, s11;
	[dreg:$0x7] =	wrdreg s29  }
0x10: {  	s14 =	sadd.s32 s5, s9;
	s9 =	simm.s32 $0x0;
	[dreg:$0x8] =	wrdreg s26  }
0x11: {  	[dreg:$0x9] =	wrdreg s3;
	s3 =	sadd.s32 s2, s11;
	s0 =	sadd.s32 s4, s11  }
0x12: {  	[dreg:$0xc] =	wrdreg s14;
	s21 =	smax.u32 s6, $0x1;
	s6 =	simm.s32 $0x1400  }
0x13: {  	s11 =	simm.s32 $0x1E00;
	s14 =	simm.s32 $0x2;
	[dreg:$0xa] =	wrdreg s3  }
0x14: {  	s13 =	sshrl.u32 s10, $0x3;
	[dreg:$0xb] =	wrdreg s0;
	s3 =	smov.u32 s1  }
0x15: {  	s22 =	sor.u32 $0x280, s10;
	[dreg:$0x13] =	wrdreg s21;
	s23 =	sor.u32 $0x780, s10  }
0x16: {  	s26 =	sor.u32 $0x500, s10;
	s15 =	sadd.s32 s1, s13;
	[dreg:$0x14] =	wrdreg s23  }
0x17: {  	s16 =	sadd.s32 s2, s13;
	s17 =	sadd.s32 s4, s13;
	[dreg:$0xd] =	wrdreg s15  }
0x18: {  	s18 =	sor.u32 $0x50, s13;
	s13 =	simm.s32 $0x500;
	[dreg:$0xe] =	wrdreg s16  }
.Ltmp0:
0x19: {  	s23 =	simm.s32 $0x5;
	[dreg:$0xf] =	wrdreg s17;
	(pc) =	sbr.rel .LBB2_1-.Ltmp0, $4  }
0x1a: {  	s1 =	sadd.s32 s1, s18;
	s19 =	sadd.s32 s2, s18;
	s0 =	sadd.s32 s4, s18  }
0x1b: {  	s4 =	smov.u32 s2;
	s2 =	simm.s32 $0x780;
	[dreg:$0x10] =	wrdreg s1  }
0x1c: {  	s18 =	simm.s32 $0x280;
	s15 =	simm.s32 $0x4;
	[dreg:$0x11] =	wrdreg s19  }
0x1d: {  	v0 =	vimm.f32 $0.0e+00;
	[dreg:$0x12] =	wrdreg s0;
	s0 =	simm.s32 $0x1900;
	s19 =	simm.s32 $0x2580  }
.LBB2_14:
0x1e: {  	s9 =	rddreg [dreg:$0x15]  }
0x1f: {  	s1 =	rddreg [dreg:$0x13];
	s9 =	sadd.s32 $0x1, s9  }
0x20: {  	p0 =	sne.s32 s9, s1  }
.Ltmp1:
0x21: {  	_ = 	snop;
	(pc) =	sbr.rel @!p0 .LBB2_15-.Ltmp1, $2  }
0x22: {  	_ =	sdelay $0x2  }
0x23: {  	s29 =	rddreg [dreg:$0x7];
	s2 =	simm.s32 $0x780  }
.LBB2_1:
0x24: {  	[dreg:$0x15] =	wrdreg s9;
	s9 =	simm.s32 $0x40;
	s16 =	simm.s32 $0x0  }
.LBB2_2:
0x25: {  	p0 =	sne.s32 s9, $0x1DC0;
	[tilespmem:s16+$0x780] =	vst v0;
	s16 =	smov.u32 s9;
	s9 =	sadd.s32 $0x40, s9  }
.Ltmp2:
0x26: {  	(pc) =	sbr.rel @p0 .LBB2_2-.Ltmp2, $2  }
0x27: {  	_ =	sdelay $0x2  }
0x28: {  	s16 =	sshra.s32 s16, $0x2  }
0x29: {  	[tilespmem:s16+$0x780] =	vst v0  }
0x2a: {  	[spmem:s29] =	stream.linear.scatter [tilespmem:s2], [sflag:$0x7], $0x780, $0x38;
	[tilespmem:$0x4100] =	vst v63  }
0x2b: {  	_ =	swait.ge [sflag:s30], $0x780  }
0x2c: {  	[sflag:s30] =	ssyncset.done $0x0  }
0x2d: {  	[sflag:s30] =	ssyncadd.s32 $0xFFFFF880  }
0x2e: {  	[bflag:$0x0] =	sbarrier.arrive $0xFFFF  }
0x2f: {  	s1 =	rddreg [dreg:$0x8]  }
0x30: {  	[tilespmem:s31], [sflag:$0x1] =	stream.linear.gather [hbm4b:s1+s8], $0x500, $0x38;
	[tilespmem:$0x4100] =	vst v63  }
0x31: {  	s16 =	rddreg [dreg:$0x9]  }
0x32: {  	[tilespmem:s0], [sflag:$0x1] =	stream.linear.gather [hbm4b:s16+s8], $0x500, $0x38;
	[tilespmem:$0x4100] =	vst v63  }
0x33: {  	s17 =	rddreg [dreg:$0xa]  }
0x34: {  	[tilespmem:s6], [sflag:$0x2] =	stream.linear.gather [hbm4b:s17+s8], $0x500, $0x38;
	[tilespmem:$0x4100] =	vst v63  }
0x35: {  	s21 =	rddreg [dreg:$0xb]  }
0x36: {  	[tilespmem:s11], [sflag:$0x2] =	stream.linear.gather [hbm4b:s21+s8], $0x500, $0x38;
	[tilespmem:$0x4100] =	vst v63  }
0x37: {  	_ =	swait.ge [sflag:s12], $0x500  }
0x38: {  	[sflag:s12] =	ssyncset.done $0x0  }
0x39: {  	[sflag:s12] =	ssyncadd.s32 $0xFFFFFB00  }
0x3a: {  	_ =	swait.ge [sflag:s12], $0x500  }
0x3b: {  	[sflag:s12] =	ssyncset.done $0x0  }
0x3c: {  	[sflag:s12] =	ssyncadd.s32 $0xFFFFFB00  }
0x3d: {  	[spmem:s7] =	stream.indirect.scatter.add.f32 [tilespmem:s0], [sflag:$0x7], $0x1, s31, s13, $0xb8;
	[tilespmem:$0x4100] =	vst v63  }
0x3e: {  	_ =	swait.ge [sflag:s30], $0x500  }
0x3f: {  	s9 =	sadd.s32 $0xFFFFE340, s25;
	[sflag:s30] =	ssyncset.done $0x0  }
0x40: {  	s1 =	sadd.s32 $0x1E00, s9;
	s17 =	sadd.s32 $0xFFFFE340, s24;
	[sflag:s30] =	ssyncadd.s32 $0xFFFFFB00  }
0x41: {  	[tilespmem:s31], [sflag:$0x1] =	stream.linear.gather [hbm4b:s1+s8], $0x500, $0x38;
	[tilespmem:$0x4100] =	vst v63  }
0x42: {  	s21 =	sadd.s32 $0x1E00, s17  }
0x43: {  	[tilespmem:s0], [sflag:$0x1] =	stream.linear.gather [hbm4b:s21+s8], $0x500, $0x38;
	[tilespmem:$0x4100] =	vst v63  }
0x44: {  	_ =	swait.ge [sflag:s14], $0x500  }
0x45: {  	[sflag:s14] =	ssyncset.done $0x0  }
0x46: {  	[sflag:s14] =	ssyncadd.s32 $0xFFFFFB00  }
0x47: {  	_ =	swait.ge [sflag:s14], $0x500  }
0x48: {  	[sflag:s14] =	ssyncset.done $0x0  }
0x49: {  	[sflag:s14] =	ssyncadd.s32 $0xFFFFFB00  }
0x4a: {  	[spmem:s7] =	stream.indirect.scatter.add.f32 [tilespmem:s11], [sflag:$0x7], $0x1, s6, s13, $0xb8;
	[tilespmem:$0x4100] =	vst v63  }
0x4b: {  	_ =	swait.ge [sflag:s30], $0x500  }
0x4c: {  	[sflag:s30] =	ssyncset.done $0x0  }
0x4d: {  	s9 =	sadd.s32 $0x1EA0, s9;
	[sflag:s30] =	ssyncadd.s32 $0xFFFFFB00  }
0x4e: {  	[tilespmem:s6], [sflag:$0x2] =	stream.linear.gather [hbm4b:s9+s8], $0x500, $0x38;
	[tilespmem:$0x4100] =	vst v63  }
0x4f: {  	s16 =	simm.s32 $0xFFFFE480;
	s9 =	sadd.s32 $0x1EA0, s17  }
.LBB2_4:
0x50: {  	[tilespmem:s11], [sflag:$0x2] =	stream.linear.gather [hbm4b:s9+s8], $0x500, $0x38;
	[tilespmem:$0x4100] =	vst v63  }
0x51: {  	s9 =	smov.u32 s16  }
0x52: {  	p0 =	sne.s32 s16, $0xFFFFFEC0;
	s16 =	sadd.s32 $0x140, s16;
	_ =	swait.ge [sflag:s12], $0x500  }
0x53: {  	[sflag:s12] =	ssyncset.done $0x0  }
0x54: {  	[sflag:s12] =	ssyncadd.s32 $0xFFFFFB00  }
0x55: {  	_ =	swait.ge [sflag:s12], $0x500  }
0x56: {  	[sflag:s12] =	ssyncset.done $0x0  }
0x57: {  	[sflag:s12] =	ssyncadd.s32 $0xFFFFFB00  }
0x58: {  	[spmem:s7] =	stream.indirect.scatter.add.f32 [tilespmem:s0], [sflag:$0x7], $0x1, s31, s13, $0xb8;
	[tilespmem:$0x4100] =	vst v63  }
0x59: {  	_ =	swait.ge [sflag:s30], $0x500  }
0x5a: {  	s17 =	sadd.s32 s9, s25;
	[sflag:s30] =	ssyncset.done $0x0  }
0x5b: {  	s9 =	sadd.s32 s9, s24;
	s21 =	sadd.s32 $0x1E00, s17;
	[sflag:s30] =	ssyncadd.s32 $0xFFFFFB00  }
0x5c: {  	[tilespmem:s31], [sflag:$0x1] =	stream.linear.gather [hbm4b:s21+s8], $0x500, $0x38;
	[tilespmem:$0x4100] =	vst v63  }
0x5d: {  	s21 =	sadd.s32 $0x1E00, s9  }
0x5e: {  	[tilespmem:s0], [sflag:$0x1] =	stream.linear.gather [hbm4b:s21+s8], $0x500, $0x38;
	[tilespmem:$0x4100] =	vst v63  }
0x5f: {  	_ =	swait.ge [sflag:s14], $0x500  }
0x60: {  	[sflag:s14] =	ssyncset.done $0x0  }
0x61: {  	[sflag:s14] =	ssyncadd.s32 $0xFFFFFB00  }
0x62: {  	_ =	swait.ge [sflag:s14], $0x500  }
0x63: {  	[sflag:s14] =	ssyncset.done $0x0  }
0x64: {  	[sflag:s14] =	ssyncadd.s32 $0xFFFFFB00  }
0x65: {  	[spmem:s7] =	stream.indirect.scatter.add.f32 [tilespmem:s11], [sflag:$0x7], $0x1, s6, s13, $0xb8;
	[tilespmem:$0x4100] =	vst v63  }
.Ltmp3:
0x66: {  	_ =	swait.ge [sflag:s30], $0x500;
	(pc) =	sbr.rel @p0 .LBB2_4-.Ltmp3, $4  }
0x67: {  	[sflag:s30] =	ssyncset.done $0x0  }
0x68: {  	s17 =	sadd.s32 $0x1EA0, s17;
	[sflag:s30] =	ssyncadd.s32 $0xFFFFFB00  }
0x69: {  	[tilespmem:s6], [sflag:$0x2] =	stream.linear.gather [hbm4b:s17+s8], $0x500, $0x38;
	[tilespmem:$0x4100] =	vst v63  }
0x6a: {  	s9 =	sadd.s32 $0x1EA0, s9  }
0x6b: {  	[tilespmem:s11], [sflag:$0x2] =	stream.linear.gather [hbm4b:s9+s8], $0x500, $0x38;
	[tilespmem:$0x4100] =	vst v63  }
0x6c: {  	_ =	swait.ge [sflag:s12], $0x500  }
0x6d: {  	[sflag:s12] =	ssyncset.done $0x0  }
0x6e: {  	[sflag:s12] =	ssyncadd.s32 $0xFFFFFB00  }
0x6f: {  	_ =	swait.ge [sflag:s12], $0x500  }
0x70: {  	[sflag:s12] =	ssyncset.done $0x0  }
0x71: {  	[sflag:s12] =	ssyncadd.s32 $0xFFFFFB00  }
0x72: {  	[spmem:s7] =	stream.indirect.scatter.add.f32 [tilespmem:s0], [sflag:$0x7], $0x1, s31, s13, $0xb8;
	[tilespmem:$0x4100] =	vst v63  }
0x73: {  	_ =	swait.ge [sflag:s30], $0x500  }
0x74: {  	[sflag:s30] =	ssyncset.done $0x0  }
0x75: {  	[sflag:s30] =	ssyncadd.s32 $0xFFFFFB00  }
0x76: {  	_ =	swait.ge [sflag:s14], $0x500  }
0x77: {  	[sflag:s14] =	ssyncset.done $0x0  }
0x78: {  	[sflag:s14] =	ssyncadd.s32 $0xFFFFFB00  }
0x79: {  	_ =	swait.ge [sflag:s14], $0x500  }
0x7a: {  	[sflag:s14] =	ssyncset.done $0x0  }
0x7b: {  	[sflag:s14] =	ssyncadd.s32 $0xFFFFFB00  }
0x7c: {  	[spmem:s7] =	stream.indirect.scatter.add.f32 [tilespmem:s11], [sflag:$0x7], $0x1, s6, s13, $0xb8;
	[tilespmem:$0x4100] =	vst v63  }
0x7d: {  	_ =	swait.ge [sflag:s30], $0x500  }
0x7e: {  	[sflag:s30] =	ssyncset.done $0x0  }
0x7f: {  	[sflag:s30] =	ssyncadd.s32 $0xFFFFFB00  }
0x80: {  	[bflag:$0x0] =	sbarrier.arrive $0xFFFF  }
0x81: {  	[tilespmem:s2], [sflag:$0x7] =	stream.linear.gather [spmem:s29], $0x780, $0x38;
	[tilespmem:$0x4100] =	vst v63  }
0x82: {  	_ =	swait.ge [sflag:s30], $0x780  }
0x83: {  	[sflag:s30] =	ssyncset.done $0x0  }
0x84: {  	s21 =	simm.s32 $0x0;
	s16 =	simm.s32 $0x40;
	[sflag:s30] =	ssyncadd.s32 $0xFFFFF880  }
.LBB2_6:
0x85: {  	p0 =	sne.s32 s16, $0x1DC0;
	v1 =	vld [tilespmem:s21+$0x780];
	_ =	sdelay $0x4  }
0x86: {  	v1 =	vadd.f32 $1.000000000e+00, v1;
	_ =	sdelay $0x1  }
0x87: {  	v2 =	vadd.f32 $1.000000000e+00, v1;
	_ =	sdelay $0x1  }
0x88: {  	v2 =	vmul.f32 $5.000000000e-01, v2;
	_ =	sdelay $0x1  }
0x89: {  	(erf) = vrcp.f32 v2;
	_ =	sdelay $0x8  }
0x8a: {  	v3 =	vpop (erf)  }
0x8b: {  	v3 =	vmul.f32 v3, v1;
	_ =	sdelay $0x1  }
0x8c: {  	v2 =	vadd.f32 v3, v2;
	_ =	sdelay $0x1  }
0x8d: {  	v2 =	vmul.f32 $5.000000000e-01, v2;
	_ =	sdelay $0x1  }
0x8e: {  	(erf) = vrcp.f32 v2;
	_ =	sdelay $0x8  }
0x8f: {  	v3 =	vpop (erf)  }
0x90: {  	v3 =	vmul.f32 v3, v1;
	_ =	sdelay $0x1  }
0x91: {  	v2 =	vadd.f32 v3, v2;
	_ =	sdelay $0x1  }
0x92: {  	v2 =	vmul.f32 $5.000000000e-01, v2;
	_ =	sdelay $0x1  }
0x93: {  	(erf) = vrcp.f32 v2;
	_ =	sdelay $0x8  }
0x94: {  	v3 =	vpop (erf)  }
0x95: {  	v3 =	vmul.f32 v3, v1;
	_ =	sdelay $0x1  }
0x96: {  	v2 =	vadd.f32 v3, v2;
	_ =	sdelay $0x1  }
0x97: {  	v2 =	vmul.f32 $5.000000000e-01, v2;
	_ =	sdelay $0x1  }
0x98: {  	(erf) = vrcp.f32 v2;
	_ =	sdelay $0x8  }
0x99: {  	v3 =	vpop (erf)  }
0x9a: {  	v3 =	vmul.f32 v3, v1;
	_ =	sdelay $0x1  }
0x9b: {  	v2 =	vadd.f32 v3, v2;
	_ =	sdelay $0x1  }
0x9c: {  	v2 =	vmul.f32 $5.000000000e-01, v2;
	_ =	sdelay $0x1  }
0x9d: {  	(erf) = vrcp.f32 v2;
	_ =	sdelay $0x8  }
0x9e: {  	v3 =	vpop (erf)  }
0x9f: {  	v3 =	vmul.f32 v3, v1;
	_ =	sdelay $0x1  }
0xa0: {  	v2 =	vadd.f32 v3, v2;
	_ =	sdelay $0x1  }
0xa1: {  	v2 =	vmul.f32 $5.000000000e-01, v2;
	_ =	sdelay $0x1  }
0xa2: {  	(erf) = vrcp.f32 v2;
	_ =	sdelay $0x8  }
0xa3: {  	v3 =	vpop (erf)  }
0xa4: {  	v3 =	vmul.f32 v3, v1;
	_ =	sdelay $0x1  }
0xa5: {  	v2 =	vadd.f32 v3, v2;
	_ =	sdelay $0x1  }
0xa6: {  	v2 =	vmul.f32 $5.000000000e-01, v2;
	_ =	sdelay $0x1  }
0xa7: {  	(erf) = vrcp.f32 v2;
	_ =	sdelay $0x8  }
0xa8: {  	v3 =	vpop (erf)  }
0xa9: {  	v3 =	vmul.f32 v3, v1;
	_ =	sdelay $0x1  }
0xaa: {  	v2 =	vadd.f32 v3, v2;
	_ =	sdelay $0x1  }
0xab: {  	v2 =	vmul.f32 $5.000000000e-01, v2;
	_ =	sdelay $0x1  }
0xac: {  	(erf) = vrcp.f32 v2;
	_ =	sdelay $0x8  }
0xad: {  	v3 =	vpop (erf)  }
0xae: {  	v3 =	vmul.f32 v3, v1;
	_ =	sdelay $0x1  }
0xaf: {  	v2 =	vadd.f32 v3, v2;
	_ =	sdelay $0x1  }
0xb0: {  	v2 =	vmul.f32 $5.000000000e-01, v2;
	_ =	sdelay $0x1  }
0xb1: {  	(erf) = vrcp.f32 v2;
	_ =	sdelay $0x8  }
0xb2: {  	v3 =	vpop (erf)  }
0xb3: {  	v3 =	vmul.f32 v3, v1;
	_ =	sdelay $0x1  }
0xb4: {  	v2 =	vadd.f32 v3, v2;
	_ =	sdelay $0x1  }
0xb5: {  	v2 =	vmul.f32 $5.000000000e-01, v2;
	_ =	sdelay $0x1  }
0xb6: {  	(erf) = vrcp.f32 v2;
	_ =	sdelay $0x8  }
0xb7: {  	v3 =	vpop (erf)  }
0xb8: {  	v3 =	vmul.f32 v3, v1;
	_ =	sdelay $0x1  }
0xb9: {  	v2 =	vadd.f32 v3, v2;
	_ =	sdelay $0x1  }
0xba: {  	v2 =	vmul.f32 $5.000000000e-01, v2;
	_ =	sdelay $0x1  }
0xbb: {  	(erf) = vrcp.f32 v2;
	_ =	sdelay $0x8  }
0xbc: {  	v3 =	vpop (erf)  }
0xbd: {  	v3 =	vmul.f32 v3, v1;
	_ =	sdelay $0x1  }
0xbe: {  	v2 =	vadd.f32 v3, v2;
	_ =	sdelay $0x1  }
0xbf: {  	v2 =	vmul.f32 $5.000000000e-01, v2;
	_ =	sdelay $0x1  }
0xc0: {  	(erf) = vrcp.f32 v2;
	_ =	sdelay $0x8  }
0xc1: {  	v3 =	vpop (erf)  }
0xc2: {  	v3 =	vmul.f32 v3, v1;
	_ =	sdelay $0x1  }
0xc3: {  	v2 =	vadd.f32 v3, v2;
	_ =	sdelay $0x1  }
0xc4: {  	v2 =	vmul.f32 $5.000000000e-01, v2;
	_ =	sdelay $0x1  }
0xc5: {  	(erf) = vrcp.f32 v2;
	_ =	sdelay $0x8  }
0xc6: {  	v3 =	vpop (erf)  }
0xc7: {  	v1 =	vmul.f32 v3, v1;
	_ =	sdelay $0x1  }
0xc8: {  	v1 =	vadd.f32 v1, v2;
	_ =	sdelay $0x1  }
0xc9: {  	v1 =	vmul.f32 $5.000000000e-01, v1;
	_ =	sdelay $0x1  }
0xca: {  	(erf) = vrcp.f32 v1;
	_ =	sdelay $0x5  }
.Ltmp4:
0xcb: {  	(pc) =	sbr.rel @p0 .LBB2_6-.Ltmp4, $3  }
0xcc: {  	_ =	sdelay $0x1  }
0xcd: {  	v1 =	vpop (erf)  }
0xce: {  	[tilespmem:s21+$0x780] =	vst v1;
	s21 =	sshra.s32 s16, $0x2;
	s16 =	sadd.s32 $0x40, s16  }
0xcf: {  	v1 =	vld [tilespmem:s21+$0x780];
	_ =	sdelay $0x4  }
0xd0: {  	v1 =	vadd.f32 $1.000000000e+00, v1;
	_ =	sdelay $0x1  }
0xd1: {  	v2 =	vadd.f32 $1.000000000e+00, v1;
	_ =	sdelay $0x1  }
0xd2: {  	v2 =	vmul.f32 $5.000000000e-01, v2;
	_ =	sdelay $0x1  }
0xd3: {  	(erf) = vrcp.f32 v2;
	_ =	sdelay $0x8  }
0xd4: {  	v3 =	vpop (erf)  }
0xd5: {  	v3 =	vmul.f32 v3, v1;
	_ =	sdelay $0x1  }
0xd6: {  	v2 =	vadd.f32 v3, v2;
	_ =	sdelay $0x1  }
0xd7: {  	v2 =	vmul.f32 $5.000000000e-01, v2;
	_ =	sdelay $0x1  }
0xd8: {  	(erf) = vrcp.f32 v2;
	_ =	sdelay $0x8  }
0xd9: {  	v3 =	vpop (erf)  }
0xda: {  	v3 =	vmul.f32 v3, v1;
	_ =	sdelay $0x1  }
0xdb: {  	v2 =	vadd.f32 v3, v2;
	_ =	sdelay $0x1  }
0xdc: {  	v2 =	vmul.f32 $5.000000000e-01, v2;
	_ =	sdelay $0x1  }
0xdd: {  	(erf) = vrcp.f32 v2;
	_ =	sdelay $0x8  }
0xde: {  	v3 =	vpop (erf)  }
0xdf: {  	v3 =	vmul.f32 v3, v1;
	_ =	sdelay $0x1  }
0xe0: {  	v2 =	vadd.f32 v3, v2;
	_ =	sdelay $0x1  }
0xe1: {  	v2 =	vmul.f32 $5.000000000e-01, v2;
	_ =	sdelay $0x1  }
0xe2: {  	(erf) = vrcp.f32 v2;
	_ =	sdelay $0x8  }
0xe3: {  	v3 =	vpop (erf)  }
0xe4: {  	v3 =	vmul.f32 v3, v1;
	_ =	sdelay $0x1  }
0xe5: {  	v2 =	vadd.f32 v3, v2;
	_ =	sdelay $0x1  }
0xe6: {  	v2 =	vmul.f32 $5.000000000e-01, v2;
	_ =	sdelay $0x1  }
0xe7: {  	(erf) = vrcp.f32 v2;
	_ =	sdelay $0x8  }
0xe8: {  	v3 =	vpop (erf)  }
0xe9: {  	v3 =	vmul.f32 v3, v1;
	_ =	sdelay $0x1  }
0xea: {  	v2 =	vadd.f32 v3, v2;
	_ =	sdelay $0x1  }
0xeb: {  	v2 =	vmul.f32 $5.000000000e-01, v2;
	_ =	sdelay $0x1  }
0xec: {  	(erf) = vrcp.f32 v2;
	_ =	sdelay $0x8  }
0xed: {  	v3 =	vpop (erf)  }
0xee: {  	v3 =	vmul.f32 v3, v1;
	_ =	sdelay $0x1  }
0xef: {  	v2 =	vadd.f32 v3, v2;
	_ =	sdelay $0x1  }
0xf0: {  	v2 =	vmul.f32 $5.000000000e-01, v2;
	_ =	sdelay $0x1  }
0xf1: {  	(erf) = vrcp.f32 v2;
	_ =	sdelay $0x8  }
0xf2: {  	v3 =	vpop (erf)  }
0xf3: {  	v3 =	vmul.f32 v3, v1;
	_ =	sdelay $0x1  }
0xf4: {  	v2 =	vadd.f32 v3, v2;
	_ =	sdelay $0x1  }
0xf5: {  	v2 =	vmul.f32 $5.000000000e-01, v2;
	_ =	sdelay $0x1  }
0xf6: {  	(erf) = vrcp.f32 v2;
	_ =	sdelay $0x8  }
0xf7: {  	v3 =	vpop (erf)  }
0xf8: {  	v3 =	vmul.f32 v3, v1;
	_ =	sdelay $0x1  }
0xf9: {  	v2 =	vadd.f32 v3, v2;
	_ =	sdelay $0x1  }
0xfa: {  	v2 =	vmul.f32 $5.000000000e-01, v2;
	_ =	sdelay $0x1  }
0xfb: {  	(erf) = vrcp.f32 v2;
	_ =	sdelay $0x8  }
0xfc: {  	v3 =	vpop (erf)  }
0xfd: {  	v3 =	vmul.f32 v3, v1;
	_ =	sdelay $0x1  }
0xfe: {  	v2 =	vadd.f32 v3, v2;
	_ =	sdelay $0x1  }
0xff: {  	v2 =	vmul.f32 $5.000000000e-01, v2;
	_ =	sdelay $0x1  }
0x100: {  	(erf) = vrcp.f32 v2;
	_ =	sdelay $0x8  }
0x101: {  	v3 =	vpop (erf)  }
0x102: {  	v3 =	vmul.f32 v3, v1;
	_ =	sdelay $0x1  }
0x103: {  	v2 =	vadd.f32 v3, v2;
	_ =	sdelay $0x1  }
0x104: {  	v2 =	vmul.f32 $5.000000000e-01, v2;
	_ =	sdelay $0x1  }
0x105: {  	(erf) = vrcp.f32 v2;
	_ =	sdelay $0x8  }
0x106: {  	v3 =	vpop (erf)  }
0x107: {  	v3 =	vmul.f32 v3, v1;
	_ =	sdelay $0x1  }
0x108: {  	v2 =	vadd.f32 v3, v2;
	_ =	sdelay $0x1  }
0x109: {  	v2 =	vmul.f32 $5.000000000e-01, v2;
	_ =	sdelay $0x1  }
0x10a: {  	(erf) = vrcp.f32 v2;
	_ =	sdelay $0x8  }
0x10b: {  	v3 =	vpop (erf)  }
0x10c: {  	v3 =	vmul.f32 v3, v1;
	_ =	sdelay $0x1  }
0x10d: {  	v2 =	vadd.f32 v3, v2;
	_ =	sdelay $0x1  }
0x10e: {  	v2 =	vmul.f32 $5.000000000e-01, v2;
	_ =	sdelay $0x1  }
0x10f: {  	(erf) = vrcp.f32 v2;
	_ =	sdelay $0x8  }
0x110: {  	v3 =	vpop (erf)  }
0x111: {  	v1 =	vmul.f32 v3, v1;
	_ =	sdelay $0x1  }
0x112: {  	v1 =	vadd.f32 v1, v2;
	_ =	sdelay $0x1  }
0x113: {  	v1 =	vmul.f32 $5.000000000e-01, v1;
	_ =	sdelay $0x1  }
0x114: {  	(erf) = vrcp.f32 v1;
	_ =	sdelay $0x8  }
0x115: {  	v1 =	vpop (erf)  }
0x116: {  	s16 =	simm.s32 $0x0;
	s1 =	rddreg [dreg:$0xc];
	[tilespmem:s21+$0x780] =	vst v1  }
0x117: {  	[hbm4b:s1+s16] =	stream.linear.scatter [tilespmem:s2], [sflag:$0x7], $0x780, $0x38;
	[tilespmem:$0x4100] =	vst v63  }
0x118: {  	_ =	swait.ge [sflag:s30], $0x780  }
0x119: {  	[sflag:s30] =	ssyncset.done $0x0  }
0x11a: {  	[sflag:s30] =	ssyncadd.s32 $0xFFFFF880  }
0x11b: {  	[bflag:$0x0] =	sbarrier.arrive $0xFFFF  }
0x11c: {  	s2 =	simm.s32 $0x2300;
	s17 =	rddreg [dreg:$0xd]  }
0x11d: {  	[tilespmem:s2], [sflag:$0x3] =	stream.linear.gather [hbm4b:s17+s16], $0x280, $0x38;
	[tilespmem:$0x4100] =	vst v63  }
0x11e: {  	s9 =	simm.s32 $0x2800;
	s21 =	rddreg [dreg:$0xe]  }
0x11f: {  	[tilespmem:s9], [sflag:$0x3] =	stream.linear.gather [hbm4b:s21+s16], $0x280, $0x38;
	[tilespmem:$0x4100] =	vst v63  }
0x120: {  	s29 =	rddreg [dreg:$0xf];
	s17 =	simm.s32 $0x2D00;
	s21 =	simm.s32 $0x3  }
0x121: {  	[tilespmem:s17], [sflag:$0x3] =	stream.linear.gather [hbm4b:s29+s16], $0x280, $0x38;
	[tilespmem:$0x4100] =	vst v63  }
0x122: {  	_ =	swait.ge [sflag:s21], $0x280  }
0x123: {  	[sflag:s21] =	ssyncset.done $0x0  }
0x124: {  	[sflag:s21] =	ssyncadd.s32 $0xFFFFFD80  }
0x125: {  	_ =	swait.ge [sflag:s21], $0x280  }
0x126: {  	[sflag:s21] =	ssyncset.done $0x0  }
0x127: {  	[sflag:s21] =	ssyncadd.s32 $0xFFFFFD80  }
0x128: {  	_ =	swait.ge [sflag:s21], $0x280  }
0x129: {  	[sflag:s21] =	ssyncset.done $0x0  }
0x12a: {  	s29 =	simm.s32 $0x3200;
	[sflag:s21] =	ssyncadd.s32 $0xFFFFFD80  }
0x12b: {  	[tilespmem:s29], [sflag:$0x5] =	stream.indirect.gather [hbm4b:s5+s18], $0x1, s2, s18, $0xb8;
	[tilespmem:$0x4100] =	vst v63  }
0x12c: {  	s2 =	simm.s32 $0x3700  }
0x12d: {  	[tilespmem:s2], [sflag:$0x5] =	stream.indirect.gather [hbm4b:s5+s18], $0x1, s9, s18, $0xb8;
	[tilespmem:$0x4100] =	vst v63  }
0x12e: {  	s9 =	rddreg [dreg:$0x10]  }
0x12f: {  	[tilespmem:s19], [sflag:$0x4] =	stream.linear.gather [hbm4b:s9+s16], $0x280, $0x38;
	[tilespmem:$0x4100] =	vst v63  }
0x130: {  	s17 =	rddreg [dreg:$0x11]  }
0x131: {  	[tilespmem:s20], [sflag:$0x4] =	stream.linear.gather [hbm4b:s17+s16], $0x280, $0x38;
	[tilespmem:$0x4100] =	vst v63  }
0x132: {  	s21 =	rddreg [dreg:$0x12];
	s29 =	simm.s32 $0x2F80  }
0x133: {  	[tilespmem:s29], [sflag:$0x4] =	stream.linear.gather [hbm4b:s21+s16], $0x280, $0x38;
	[tilespmem:$0x4100] =	vst v63  }
.LBB2_8:
0x134: {  	_ =	swait.ge [sflag:s23], $0x280  }
0x135: {  	[sflag:s23] =	ssyncset.done $0x0  }
0x136: {  	[sflag:s23] =	ssyncadd.s32 $0xFFFFFD80  }
0x137: {  	_ =	swait.ge [sflag:s23], $0x280  }
0x138: {  	[sflag:s23] =	ssyncset.done $0x0  }
0x139: {  	[sflag:s23] =	ssyncadd.s32 $0xFFFFFD80  }
0x13a: {  	_ =	swait.ge [sflag:s15], $0x280  }
0x13b: {  	[sflag:s15] =	ssyncset.done $0x0  }
0x13c: {  	[sflag:s15] =	ssyncadd.s32 $0xFFFFFD80  }
0x13d: {  	_ =	swait.ge [sflag:s15], $0x280  }
0x13e: {  	[sflag:s15] =	ssyncset.done $0x0  }
0x13f: {  	[sflag:s15] =	ssyncadd.s32 $0xFFFFFD80  }
0x140: {  	_ =	swait.ge [sflag:s15], $0x280  }
0x141: {  	[sflag:s15] =	ssyncset.done $0x0  }
0x142: {  	s1 =	simm.s32 $0x3480;
	[sflag:s15] =	ssyncadd.s32 $0xFFFFFD80  }
0x143: {  	[tilespmem:s1], [sflag:$0x6] =	stream.indirect.gather [hbm4b:s5+s18], $0x1, s19, s18, $0xb8;
	[tilespmem:$0x4100] =	vst v63  }
0x144: {  	s21 =	simm.s32 $0x3980;
	s29 =	simm.s32 $0x0  }
0x145: {  	[tilespmem:s21], [sflag:$0x6] =	stream.indirect.gather [hbm4b:s5+s18], $0x1, s20, s18, $0xb8;
	[tilespmem:$0x4100] =	vst v63  }
0x146: {  	v1 =	vld [tilespmem:s29+$0x3200]  }
0x147: {  	v3 =	vld [tilespmem:s29+$0x2D00];
	_ =	sdelay $0x1  }
0x148: {  	v2 =	vld [tilespmem:s29+$0x3700]  }
0x149: {  	s9 =	simm.s32 $0x40  }
.LBB2_9:
0x14a: {  	s17 =	sshra.s32 s9, $0x2;
	p0 =	sne.s32 s9, $0x9C0  }
.Ltmp5:
0x14b: {  	s9 =	sadd.s32 $0x40, s9;
	v4 =	vmul.f32 v3, v1;
	v1 =	vld [tilespmem:s17+$0x3200];
	(pc) =	sbr.rel @p0 .LBB2_9-.Ltmp5, $4  }
0x14c: {  	v3 =	vld [tilespmem:s17+$0x2D00]  }
0x14d: {  	v4 =	vmul.f32 v2, v4  }
0x14e: {  	v2 =	vld [tilespmem:s17+$0x3700]  }
0x14f: {  	[tilespmem:s29+$0x3C00] =	vst v4;
	s29 =	smov.u32 s17  }
0x150: {  	_ = 	snop  }
0x151: {  	s21 =	smul.u32 $0x500, s16;
	v1 =	vmul.f32 v3, v1;
	_ =	sdelay $0x1  }
0x152: {  	s9 =	sadd.s32 s10, s21;
	v1 =	vmul.f32 v2, v1  }
0x153: {  	s1 =	rddreg [dreg:$0x3];
	s9 =	sshrl.u32 s9, $0x3  }
0x154: {  	s17 =	simm.s32 $0x3C00;
	s9 =	sadd.s32 s1, s9;
	[tilespmem:s29+$0x3C00] =	vst v1  }
0x155: {  	[hbm4b:s9+s8] =	stream.linear.scatter [tilespmem:s17], [sflag:$0x7], $0x280, $0x38;
	[tilespmem:$0x4100] =	vst v63  }
0x156: {  	_ =	swait.ge [sflag:s30], $0x280  }
0x157: {  	p0 =	seq.s32 s16, $0x17;
	[sflag:s30] =	ssyncset.done $0x0  }
0x158: {  	s9 =	simm.s32 @p0 $0x6;
	[sflag:s30] =	ssyncadd.s32 $0xFFFFFD80  }
0x159: {  	_ =	swait.ge @p0 [sflag:s9], $0x280  }
0x15a: {  	[sflag:s9] =	ssyncset.done @p0 $0x0  }
0x15b: {  	[sflag:s9] =	ssyncadd.s32 @p0 $0xFFFFFD80  }
0x15c: {  	_ =	swait.ge @p0 [sflag:s9], $0x280  }
0x15d: {  	s17 =	sadd.s32 @!p0 s21, s26;
	[sflag:s9] =	ssyncset.done @p0 $0x0  }
0x15e: {  	[sflag:s9] =	ssyncadd.s32 @p0 $0xFFFFFD80;
	s9 =	sshrl.u32 @!p0 s17, $0x3  }
0x15f: {  	s1 =	simm.s32 @!p0 $0x2300;
	s29 =	simm.s32 @!p0 $0x0;
	s17 =	sadd.s32 @!p0 s3, s9  }
0x160: {  	[tilespmem:s1], [sflag:$0x3] =	stream.linear.gather @!p0 [hbm4b:s17+s29], $0x280, $0x38;
	[tilespmem:$0x4100] =	vst v63  }
0x161: {  	s2 =	simm.s32 @!p0 $0x2800;
	s17 =	sadd.s32 @!p0 s4, s9  }
0x162: {  	[tilespmem:s2], [sflag:$0x3] =	stream.linear.gather @!p0 [hbm4b:s17+s29], $0x280, $0x38;
	[tilespmem:$0x4100] =	vst v63  }
0x163: {  	s9 =	sadd.s32 @!p0 s28, s9;
	s17 =	simm.s32 @!p0 $0x2D00  }
0x164: {  	[tilespmem:s17], [sflag:$0x3] =	stream.linear.gather @!p0 [hbm4b:s9+s29], $0x280, $0x38;
	[tilespmem:$0x4100] =	vst v63  }
0x165: {  	s9 =	simm.s32 @!p0 $0x6  }
0x166: {  	_ =	swait.ge @!p0 [sflag:s9], $0x280  }
0x167: {  	[sflag:s9] =	ssyncset.done @!p0 $0x0  }
0x168: {  	[sflag:s9] =	ssyncadd.s32 @!p0 $0xFFFFFD80  }
0x169: {  	_ =	swait.ge @!p0 [sflag:s9], $0x280  }
0x16a: {  	[sflag:s9] =	ssyncset.done @!p0 $0x0  }
0x16b: {  	[sflag:s9] =	ssyncadd.s32 @!p0 $0xFFFFFD80;
	s9 =	simm.s32 @!p0 $0x3  }
0x16c: {  	_ =	swait.ge @!p0 [sflag:s9], $0x280  }
0x16d: {  	[sflag:s9] =	ssyncset.done @!p0 $0x0  }
0x16e: {  	[sflag:s9] =	ssyncadd.s32 @!p0 $0xFFFFFD80  }
0x16f: {  	_ =	swait.ge @!p0 [sflag:s9], $0x280  }
0x170: {  	[sflag:s9] =	ssyncset.done @!p0 $0x0  }
0x171: {  	[sflag:s9] =	ssyncadd.s32 @!p0 $0xFFFFFD80  }
0x172: {  	_ =	swait.ge @!p0 [sflag:s9], $0x280  }
0x173: {  	[sflag:s9] =	ssyncset.done @!p0 $0x0  }
0x174: {  	s17 =	simm.s32 @!p0 $0x3200;
	[sflag:s9] =	ssyncadd.s32 @!p0 $0xFFFFFD80;
	s9 =	simm.s32 @!p0 $0x280  }
0x175: {  	[tilespmem:s17], [sflag:$0x5] =	stream.indirect.gather @!p0 [hbm4b:s5+s9], $0x1, s1, s9, $0xb8;
	[tilespmem:$0x4100] =	vst v63  }
0x176: {  	s29 =	simm.s32 $0x0;
	s1 =	simm.s32 @!p0 $0x3700  }
0x177: {  	[tilespmem:s1], [sflag:$0x5] =	stream.indirect.gather @!p0 [hbm4b:s5+s9], $0x1, s2, s9, $0xb8;
	[tilespmem:$0x4100] =	vst v63  }
0x178: {  	v1 =	vld [tilespmem:s29+$0x3480]  }
0x179: {  	v2 =	vld [tilespmem:s29+$0x2F80];
	_ =	sdelay $0x1  }
0x17a: {  	v3 =	vld [tilespmem:s29+$0x3980]  }
0x17b: {  	s17 =	simm.s32 $0x40;
	s9 =	sadd.s32 s21, s22  }
.LBB2_11:
0x17c: {  	s1 =	sshra.s32 s17, $0x2;
	p1 =	sne.s32 s17, $0x9C0  }
.Ltmp6:
0x17d: {  	s17 =	sadd.s32 $0x40, s17;
	v4 =	vmul.f32 v2, v1;
	v1 =	vld [tilespmem:s1+$0x3480];
	(pc) =	sbr.rel @p1 .LBB2_11-.Ltmp6, $4  }
0x17e: {  	v2 =	vld [tilespmem:s1+$0x2F80]  }
0x17f: {  	v4 =	vmul.f32 v3, v4  }
0x180: {  	v3 =	vld [tilespmem:s1+$0x3980]  }
0x181: {  	[tilespmem:s29+$0x3E80] =	vst v4;
	s29 =	smov.u32 s1  }
0x182: {  	_ = 	snop  }
0x183: {  	v1 =	vmul.f32 v2, v1;
	_ =	sdelay $0x1  }
0x184: {  	v1 =	vmul.f32 v3, v1  }
0x185: {  	s1 =	sshrl.u32 s9, $0x3;
	s2 =	rddreg [dreg:$0x3]  }
.Ltmp7:
0x186: {  	s1 =	sadd.s32 s2, s1;
	[tilespmem:s29+$0x3E80] =	vst v1;
	s29 =	simm.s32 $0x3E80;
	(pc) =	sbr.rel @p0 .LBB2_14-.Ltmp7, $4  }
0x187: {  	[hbm4b:s1+s8] =	stream.linear.scatter [tilespmem:s29], [sflag:$0x7], $0x280, $0x38;
	[tilespmem:$0x4100] =	vst v63  }
0x188: {  	_ =	swait.ge [sflag:s30], $0x280  }
0x189: {  	[sflag:s30] =	ssyncset.done $0x0  }
0x18a: {  	[sflag:s30] =	ssyncadd.s32 $0xFFFFFD80  }
0x18b: {  	s1 =	rddreg [dreg:$0x14]  }
0x18c: {  	s1 =	sadd.s32 s21, s1  }
0x18d: {  	s1 =	sshrl.u32 s1, $0x3  }
0x18e: {  	s2 =	sadd.s32 s3, s1  }
0x18f: {  	[tilespmem:s19], [sflag:$0x4] =	stream.linear.gather [hbm4b:s2+s8], $0x280, $0x38;
	[tilespmem:$0x4100] =	vst v63  }
.Ltmp8:
0x190: {  	_ = 	snop;
	(pc) =	sbr.rel .LBB2_8-.Ltmp8, $4  }
0x191: {  	s21 =	sadd.s32 s4, s1  }
0x192: {  	[tilespmem:s20], [sflag:$0x4] =	stream.linear.gather [hbm4b:s21+s8], $0x280, $0x38;
	[tilespmem:$0x4100] =	vst v63  }
0x193: {  	s29 =	simm.s32 $0x2F80;
	s16 =	sadd.s32 $0x1, s16;
	s1 =	sadd.s32 s28, s1  }
0x194: {  	[tilespmem:s29], [sflag:$0x4] =	stream.linear.gather [hbm4b:s1+s8], $0x280, $0x38;
	[tilespmem:$0x4100] =	vst v63  }
.LBB2_15:
0x195: {  	_ =	sfence.sel $0x180000  }
0x196: {  	[bflag:$0x0] =	sbarrier.arrive $0xFFFF  }
0x197: {  	_ =	strace $0x90000047  }
0x198: {  	s0 =	stileid.u32;
	[bflag:$0x2] =	sbarrier.arrive $0xFFFF  }
0x199: {  	p0 =	sne.s32 s0, $0x0;
	s0 =	rddreg [dreg:$0x6]  }
0x19a: {  	s0 =	sadd.s32 @!p0 $0x100000, s0  }
0x19b: {  	[sflag:s0] =	ssyncadd.tile.s32 @!p0 $0x1;
	_ =	shalt  }
.Lfunc_end2:
_tile_overlayer_lowered:
.L_overlay_start_2:
0x19c: {  	(tag) =	ssettag $0x2  }
0x19d: {  	s0 =	rddreg [dreg:$0x0];
	s2 =	stileid.u32  }
0x19e: {  	s1 =	rddreg [dreg:$0x1];
	p0 =	sne.s32 s2, $0x0  }
0x19f: {  	s3 =	rddreg [dreg:$0x2];
	[bflag:$0x3] =	sbarrier.arrive $0xFFFF;
	s2 =	simm.s32 @!p0 $0x1C07  }
0x1a0: {  	[timem:s3], [sflag:s2] =	dma.local @!p0 [hbm:s0], s1  }
0x1a1: {  	s0 =	simm.s32 @!p0 $0x7  }
0x1a2: {  	_ =	swait.ge @!p0 [sflag:s0], s1  }
0x1a3: {  	s1 =	ssub.s32 @!p0 $0x0, s1;
	[sflag:s0] =	ssyncset.done @!p0 $0x0  }
0x1a4: {  	[sflag:s0] =	ssyncadd.s32 @!p0 s1  }
0x1a5: {  	[bflag:$0x3] =	sbarrier.arrive $0xFFFF  }
0x1a6: {  	_ =	shalt  }

</sc_bundles>
